<compile_context>
chip_gen: v7x
topology: tpu7x:2x2x1
jax: 0.10.2.dev20260603
libtpu: 0.0.44.dev20260713+nightly
codegen_flags: <defaults>
</compile_context>

<pallas_src>
import functools

import numpy as np
import jax
import jax.numpy as jnp
from jax import lax
from jax.experimental import pallas as pl
from jax.experimental.pallas import tpu as pltpu
from jax.experimental.pallas import tpu_sc as plsc

_NUM_SPH = 7
_NUM_RAD = 6
_NCOL = _NUM_SPH * _NUM_RAD
_INV_CUTOFF = np.float32(1.0 / 5.0)

_NC = 2
_NS = 16
_NW = _NC * _NS
_CHUNK = 128


def _sph_jn_np(x, l):
    j0 = np.sin(x) / x
    if l == 0:
        return j0
    j1 = np.sin(x) / x ** 2 - np.cos(x) / x
    if l == 1:
        return j1
    jm1, j = j0, j1
    for n in range(1, l):
        jm1, j = j, (2 * n + 1) / x * j - jm1
    return j


def _jn_zeros_np(n, k):
    zerosj = np.zeros((n, k))
    zerosj[0] = np.arange(1, k + 1) * np.pi
    points = np.arange(1, k + n) * np.pi
    for i in range(1, n):
        m_roots = k + n - 1 - i
        racines = np.zeros(m_roots)
        for j in range(m_roots):
            a, b = points[j], points[j + 1]
            fa = _sph_jn_np(a, i)
            for _ in range(80):
                mid = 0.5 * (a + b)
                fm = _sph_jn_np(mid, i)
                if fa * fm <= 0:
                    b = mid
                else:
                    a = mid
                    fa = fm
            racines[j] = 0.5 * (a + b)
        points = racines
        zerosj[i] = racines[:k]
    return zerosj


_ZEROS64 = _jn_zeros_np(_NUM_SPH, _NUM_RAD)
_NORM32 = np.array(
    [[1.0 / np.sqrt(0.5 * _sph_jn_np(_ZEROS64[l, i], l + 1) ** 2)
      for i in range(_NUM_RAD)] for l in range(_NUM_SPH)],
    dtype=np.float32,
)
_ZROW = (_ZEROS64.astype(np.float32) * _INV_CUTOFF).astype(np.float32).reshape(1, _NCOL)
_NROW = _NORM32.reshape(1, _NCOL)
_LCOL = (np.arange(_NCOL, dtype=np.int32) // _NUM_RAD).reshape(1, _NCOL)
_LEG_COEF = [float(np.sqrt((2 * l + 1) / (4 * np.pi))) for l in range(_NUM_SPH)]



@functools.lru_cache(maxsize=None)
def _make_sc_gather(E, C):
    mesh = plsc.VectorSubcoreMesh(core_axis_name="c", subcore_axis_name="s")

    @functools.partial(
        pl.kernel,
        mesh=mesh,
        out_type=jax.ShapeDtypeStruct((_NW, C, _CHUNK), jnp.float32),
        scratch_types=[
            pltpu.VMEM((C, _CHUNK), jnp.int32),
            pltpu.VMEM((C, _CHUNK), jnp.float32),
            pltpu.SemaphoreType.DMA,
        ],
    )
    def gather_k(table_hbm, idx_hbm, out_hbm, idx_v, rows_v, sem):
        wid = lax.axis_index("s") * _NC + lax.axis_index("c")
        pltpu.sync_copy(idx_hbm.at[wid], idx_v)

        def group(g, carry):
            cps = []
            for b in range(8):
                j = g * 8 + b
                cps.append(
                    pltpu.async_copy(table_hbm.at[idx_v.at[j]], rows_v.at[j], sem))
            for cp in cps:
                cp.wait()
            return carry

        lax.fori_loop(0, C // 8, group, 0)
        pltpu.sync_copy(rows_v, out_hbm.at[wid])

    return gather_k


def _sc_gather(d, idx):
    T = idx.shape[0]
    E = d.shape[0]
    per_w = -(-T // (_NW * _CHUNK))
    C = -(-per_w // 8) * 8
    Tpad = _NW * C * _CHUNK
    if Tpad != T:
        idx = jnp.concatenate([idx, jnp.zeros((Tpad - T,), jnp.int32)])
    idx3 = idx.reshape(_NW, C, _CHUNK)
    out = _make_sc_gather(E, C)(d, idx3)
    return out.reshape(Tpad)



def _make_basis_body(P):
    W = _NCOL * P

    def body(dg_ref, ang_ref, zrow_ref, nrow_ref, lcol_ref, gcol_ref, o_ref):
        zrow = zrow_ref[...]
        nrow = nrow_ref[...]
        lcol = lcol_ref[...]
        gcol = gcol_ref[...]
        dgc = dg_ref[...]
        angc = ang_ref[...]

        def lane_route(mat):
            v = mat[:, P - 1:P]
            for k in range(P - 2, -1, -1):
                v = jnp.where(gcol == k, mat[:, k:k + 1], v)
            return v

        dsel = lane_route(dgc)
        X = zrow * dsel
        s = jnp.sin(X)
        c = jnp.cos(X)
        j0 = s / X
        j1 = s / (X * X) - c / X
        jm1, j = j0, j1
        for m in range(1, _NUM_SPH - 1):
            jnew = (2 * m + 1) / X * j - jm1
            act = lcol >= (m + 1)
            jm1 = jnp.where(act, j, jm1)
            j = jnp.where(act, jnew, j)
        rb = jnp.where(lcol == 0, j0, j)
        rbf = nrow * rb

        x = dgc * _INV_CUTOFF
        env = 1.0 / x + (-36.0) * x ** 6 + 63.0 * x ** 7 + (-28.0) * x ** 8
        env = jnp.where(x < 10, env, jnp.zeros_like(env))
        rbf_env = lane_route(env) * rbf

        ct = jnp.cos(angc)
        Ps = [jnp.ones_like(ct), ct]
        for l in range(2, _NUM_SPH):
            Ps.append(((2 * l - 1) * ct * Ps[l - 1] - (l - 1) * Ps[l - 2]) / l)
        scaled = [lane_route(_LEG_COEF[l] * Ps[l]) for l in range(_NUM_SPH)]
        cb = scaled[_NUM_SPH - 1]
        for l in range(_NUM_SPH - 2, -1, -1):
            cb = jnp.where(lcol == l, scaled[l], cb)

        o_ref[...] = rbf_env * cb

    return body


@functools.lru_cache(maxsize=None)
def _make_tc_basis(T, Bt, P):
    R = T // P
    W = _NCOL * P
    grid = (R // Bt,)
    return pl.pallas_call(
        _make_basis_body(P),
        grid=grid,
        in_specs=[
            pl.BlockSpec((Bt, P), lambda i: (i, 0)),
            pl.BlockSpec((Bt, P), lambda i: (i, 0)),
            pl.BlockSpec((1, W), lambda i: (0, 0)),
            pl.BlockSpec((1, W), lambda i: (0, 0)),
            pl.BlockSpec((1, W), lambda i: (0, 0)),
            pl.BlockSpec((1, W), lambda i: (0, 0)),
        ],
        out_specs=pl.BlockSpec((Bt, W), lambda i: (i, 0)),
        out_shape=jax.ShapeDtypeStruct((R, W), jnp.float32),
    )


def _pick_layout(T):
    for P in (3, 2, 1):
        if T % P:
            continue
        R = T // P
        for bt in (1600, 3200, 800, 1024, 2048, 512, 400, 250, 200, 125, 100, 8, 1):
            if R % bt == 0 and bt % 8 == 0:
                return P, bt
    return 1, 1


def kernel(d, Angles, id_expand_kj):
    T = id_expand_kj.shape[0]
    dg = _sc_gather(d, id_expand_kj)
    P, Bt = _pick_layout(T)
    R = T // P
    W = _NCOL * P
    zrow = jnp.asarray(np.tile(_ZROW, (1, P)))
    nrow = jnp.asarray(np.tile(_NROW, (1, P)))
    lcol = jnp.asarray(np.tile(_LCOL, (1, P)))
    gcol = jnp.asarray((np.arange(W, dtype=np.int32) // _NCOL).reshape(1, W))
    dgp = dg.reshape(dg.shape[0] // P, P)
    out = _make_tc_basis(T, Bt, P)(
        dgp, Angles.reshape(R, P), zrow, nrow, lcol, gcol)
    return out.reshape(T, _NCOL)

# --- scband reference (transcript-rebuilt; emitter-appended) ---
"""Pipeline reference for scband-spherical-basis-layer-58334245814985 (READ-ONLY COPY).

The authoritative reference and input builder live on the scoring server;
editing this copy changes nothing except your own understanding.
"""

import jax, jax.numpy as jnp
import numpy as np

NUM_SPHERICAL = 7
NUM_RADIAL = 6
INV_CUTOFF = np.float32(1.0 / 5.0)
E = 800000
T = 1600000


def _sph_jn_np(x, l):
    j0 = np.sin(x) / x
    if l == 0:
        return j0
    j1 = np.sin(x) / x ** 2 - np.cos(x) / x
    if l == 1:
        return j1
    jm1, j = j0, j1
    for n in range(1, l):
        jm1, j = j, (2 * n + 1) / x * j - jm1
    return j


def _jn_zeros(n, k):
    # zeros of spherical Bessel functions j_0..j_{n-1} via interlacing + bisection
    zerosj = np.zeros((n, k))
    zerosj[0] = np.arange(1, k + 1) * np.pi
    points = np.arange(1, k + n) * np.pi
    for i in range(1, n):
        m_roots = k + n - 1 - i
        racines = np.zeros(m_roots)
        for j in range(m_roots):
            a, b = points[j], points[j + 1]
            fa = _sph_jn_np(a, i)
            for _ in range(80):
                mid = 0.5 * (a + b)
                fm = _sph_jn_np(mid, i)
                if fa * fm <= 0:
                    b = mid
                else:
                    a = mid
                    fa = fm
            racines[j] = 0.5 * (a + b)
        points = racines
        zerosj[i] = racines[:k]
    return zerosj


ZEROS = _jn_zeros(NUM_SPHERICAL, NUM_RADIAL)
NORM = np.array([[1.0 / np.sqrt(0.5 * _sph_jn_np(ZEROS[l, i], l + 1) ** 2) for i in range(NUM_RADIAL)] for l in range(NUM_SPHERICAL)], dtype=np.float32)


def _sph_jn_jnp(x, l):
    j0 = jnp.sin(x) / x
    if l == 0:
        return j0
    j1 = jnp.sin(x) / x ** 2 - jnp.cos(x) / x
    if l == 1:
        return j1
    jm1, j = j0, j1
    for n in range(1, l):
        jm1, j = j, (2 * n + 1) / x * j - jm1
    return j


def _envelope(x):
    p = 7
    a = -(p + 1) * (p + 2) / 2.0
    b = p * (p + 2)
    c = -p * (p + 1) / 2.0
    env = 1.0 / x + a * x ** (p - 1) + b * x ** p + c * x ** (p + 1)
    return jnp.where(x < 10, env, jnp.zeros_like(env))


def _forward(d, Angles, id_expand_kj):
    d_scaled = d * INV_CUTOFF
    rbf_cols = []
    for l in range(NUM_SPHERICAL):
        for n in range(NUM_RADIAL):
            rbf_cols.append(float(NORM[l, n]) * _sph_jn_jnp(float(ZEROS[l, n]) * d_scaled, l))
    rbf = jnp.stack(rbf_cols, axis=1)
    d_cutoff = _envelope(d_scaled)
    rbf_env = d_cutoff[:, None] * rbf
    rbf_env = jnp.take(rbf_env, id_expand_kj, axis=0)
    ct = jnp.cos(Angles)
    Ps = [jnp.ones_like(ct), ct]
    for l in range(2, NUM_SPHERICAL):
        Ps.append(((2 * l - 1) * ct * Ps[l - 1] - (l - 1) * Ps[l - 2]) / l)
    cbf = jnp.stack([float(np.sqrt((2 * l + 1) / (4 * np.pi))) * Ps[l] for l in range(NUM_SPHERICAL)], axis=1)
    cbf = jnp.repeat(cbf, NUM_RADIAL, axis=1)
    return rbf_env * cbf


def setup_inputs(seed: int = 0):
    key = jax.random.key(seed)
    k1, k2, k3 = jax.random.split(key, 3)
    d = jax.random.uniform(k1, (E,), dtype=jnp.float32)
    d = jnp.maximum(d, 1e-3)  # distances strictly positive (avoid div-by-zero in 1/x and sin(x)/x)
    Angles = jax.random.uniform(k2, (T,), dtype=jnp.float32)
    id_expand_kj = jax.random.randint(k3, (T,), 0, E, dtype=jnp.int32)
    return {"d": d, "Angles": Angles, "id_expand_kj": id_expand_kj}


def reference(d, Angles, id_expand_kj):
    return _forward(d, Angles, id_expand_kj)

if __name__ == "__main__":
    import jax
    _d = setup_inputs()
    print(jax.jit(kernel)(*tuple(_d.values())))

</pallas_src>

<mosaic_0001>
#map = affine_map<(d0, d1) -> (0)>
#map1 = affine_map<(d0, d1) -> (0, 0, 0)>
module attributes {stable_mosaic.version = 14 : i64} {
  func.func @gather_k(%arg0: i32, %arg1: i32, %arg2: memref<800000xf32, #tpu.memory_space<hbm>>, %arg3: memref<32x392x128xi32, #tpu.memory_space<hbm>>, %arg4: memref<32x392x128xf32, #tpu.memory_space<hbm>>, %arg5: memref<392x128xi32, #tpu.memory_space<vmem>>, %arg6: memref<392x128xf32, #tpu.memory_space<vmem>>, %arg7: memref<!tpu.dma_semaphore, #tpu.memory_space<semaphore_mem>>) attributes {dimension_semantics = [#tpu.dimension_semantics<core_parallel>, #tpu.dimension_semantics<subcore_parallel>], iteration_bounds = array<i64: 2, 16>, scalar_prefetch = 0 : i64, scratch_operands = 3 : i64, tpu.core_type = #tpu.core_type<sc_vector_subcore>, window_params = [{transform_indices = #map}, {transform_indices = #map1}, {transform_indices = #map1}]} {
    %mul3A = arith.constant 2 : i32
    %mul3A_0 = arith.muli %arg1, %mul3A : i32
    %add3A = arith.addi %mul3A_0, %arg0 : i32
    "tpu.region"() ({
      %run_scoped3A = tpu.sem_alloc : memref<!tpu.dma_semaphore, #tpu.memory_space<semaphore_mem>>
      %dma_start3A = arith.constant 0 : i32
      %dma_start3A_6 = arith.constant 0 : i32
      %dma_start3A_7 = tpu.memref_slice %arg3[%add3A, %dma_start3A, %dma_start3A_6] : memref<32x392x128xi32, #tpu.memory_space<hbm>> -> memref<1x392x128xi32, #tpu.memory_space<hbm>>
      %dma_start3A_8 = tpu.memref_squeeze %dma_start3A_7 : memref<1x392x128xi32, #tpu.memory_space<hbm>> -> memref<392x128xi32, #tpu.memory_space<hbm>>
      %dma_start3A_9 = arith.constant 0 : i32
      %dma_start3A_10 = arith.constant 0 : i32
      %dma_start3A_11 = tpu.memref_slice %arg3[%add3A, %dma_start3A_9, %dma_start3A_10] : memref<32x392x128xi32, #tpu.memory_space<hbm>> -> memref<1x392x128xi32, #tpu.memory_space<hbm>>
      %dma_start3A_12 = tpu.memref_squeeze %dma_start3A_11 : memref<1x392x128xi32, #tpu.memory_space<hbm>> -> memref<392x128xi32, #tpu.memory_space<hbm>>
      tpu.enqueue_dma source(%dma_start3A_12 : memref<392x128xi32, #tpu.memory_space<hbm>>) target(%arg5 : memref<392x128xi32, #tpu.memory_space<vmem>>) target_semaphore(%run_scoped3A : memref<!tpu.dma_semaphore, #tpu.memory_space<semaphore_mem>>)
      %dma_wait3A = arith.constant 0 : i32
      %dma_wait3A_13 = arith.constant 0 : i32
      %dma_wait3A_14 = tpu.memref_slice %arg3[%add3A, %dma_wait3A, %dma_wait3A_13] : memref<32x392x128xi32, #tpu.memory_space<hbm>> -> memref<1x392x128xi32, #tpu.memory_space<hbm>>
      %dma_wait3A_15 = tpu.memref_squeeze %dma_wait3A_14 : memref<1x392x128xi32, #tpu.memory_space<hbm>> -> memref<392x128xi32, #tpu.memory_space<hbm>>
      %dma_wait3A_16 = arith.constant 0 : i32
      %dma_wait3A_17 = arith.constant 0 : i32
      %dma_wait3A_18 = tpu.memref_slice %arg3[%add3A, %dma_wait3A_16, %dma_wait3A_17] : memref<32x392x128xi32, #tpu.memory_space<hbm>> -> memref<1x392x128xi32, #tpu.memory_space<hbm>>
      %dma_wait3A_19 = tpu.memref_squeeze %dma_wait3A_18 : memref<1x392x128xi32, #tpu.memory_space<hbm>> -> memref<392x128xi32, #tpu.memory_space<hbm>>
      tpu.wait_dma2 semaphore(%run_scoped3A : memref<!tpu.dma_semaphore, #tpu.memory_space<semaphore_mem>>) src(%dma_wait3A_19 : memref<392x128xi32, #tpu.memory_space<hbm>>) dst(%arg5 : memref<392x128xi32, #tpu.memory_space<vmem>>)
      tpu.yield
    }) : () -> ()
    %scan3A = arith.constant 0 : i32
    %scan3A_1 = arith.constant 0 : i32
    %scan3A_2 = arith.constant 49 : i32
    %scan3A_3 = arith.addi %scan3A_1, %scan3A_2 : i32
    %scan3A_4 = arith.constant 1 : i32
    scf.for %scan3A_6 = %scan3A_1 to %scan3A_3 step %scan3A_4  : i32 {
      %mul3A_7 = arith.constant 8 : i32
      %mul3A_8 = arith.muli %scan3A_6, %mul3A_7 : i32
      %add3A_9 = arith.constant 0 : i32
      %add3A_10 = arith.addi %mul3A_8, %add3A_9 : i32
      %dma_start3A = arith.constant 0 : i32
      %dma_start3A_11 = tpu.memref_slice %arg6[%add3A_10, %dma_start3A] : memref<392x128xf32, #tpu.memory_space<vmem>> -> memref<1x128xf32, #tpu.memory_space<vmem>>
      %dma_start3A_12 = tpu.memref_squeeze %dma_start3A_11 : memref<1x128xf32, #tpu.memory_space<vmem>> -> memref<128xf32, #tpu.memory_space<vmem>>
      %dma_start3A_13 = arith.constant 0 : i32
      %dma_start3A_14 = tpu.memref_slice %arg5[%add3A_10, %dma_start3A_13] : memref<392x128xi32, #tpu.memory_space<vmem>> -> memref<1x128xi32, #tpu.memory_space<vmem>>
      %dma_start3A_15 = tpu.memref_squeeze %dma_start3A_14 : memref<1x128xi32, #tpu.memory_space<vmem>> -> memref<128xi32, #tpu.memory_space<vmem>>
      %dma_start3A_16 = arith.constant 0 : i32
      %dma_start3A_17 = tpu.memref_slice %arg2[%dma_start3A_16] : memref<800000xf32, #tpu.memory_space<hbm>> -> memref<800000xf32, #tpu.memory_space<hbm>>
      tpu.enqueue_indirect_dma source(%dma_start3A_17 : memref<800000xf32, #tpu.memory_space<hbm>>) target(%dma_start3A_12 : memref<128xf32, #tpu.memory_space<vmem>>) offsets(%dma_start3A_15 : memref<128xi32, #tpu.memory_space<vmem>>) semaphore(%arg7 : memref<!tpu.dma_semaphore, #tpu.memory_space<semaphore_mem>>)
      %mul3A_18 = arith.constant 8 : i32
      %mul3A_19 = arith.muli %scan3A_6, %mul3A_18 : i32
      %add3A_20 = arith.constant 1 : i32
      %add3A_21 = arith.addi %mul3A_19, %add3A_20 : i32
      %dma_start3A_22 = arith.constant 0 : i32
      %dma_start3A_23 = tpu.memref_slice %arg6[%add3A_21, %dma_start3A_22] : memref<392x128xf32, #tpu.memory_space<vmem>> -> memref<1x128xf32, #tpu.memory_space<vmem>>
      %dma_start3A_24 = tpu.memref_squeeze %dma_start3A_23 : memref<1x128xf32, #tpu.memory_space<vmem>> -> memref<128xf32, #tpu.memory_space<vmem>>
      %dma_start3A_25 = arith.constant 0 : i32
      %dma_start3A_26 = tpu.memref_slice %arg5[%add3A_21, %dma_start3A_25] : memref<392x128xi32, #tpu.memory_space<vmem>> -> memref<1x128xi32, #tpu.memory_space<vmem>>
      %dma_start3A_27 = tpu.memref_squeeze %dma_start3A_26 : memref<1x128xi32, #tpu.memory_space<vmem>> -> memref<128xi32, #tpu.memory_space<vmem>>
      %dma_start3A_28 = arith.constant 0 : i32
      %dma_start3A_29 = tpu.memref_slice %arg2[%dma_start3A_28] : memref<800000xf32, #tpu.memory_space<hbm>> -> memref<800000xf32, #tpu.memory_space<hbm>>
      tpu.enqueue_indirect_dma source(%dma_start3A_29 : memref<800000xf32, #tpu.memory_space<hbm>>) target(%dma_start3A_24 : memref<128xf32, #tpu.memory_space<vmem>>) offsets(%dma_start3A_27 : memref<128xi32, #tpu.memory_space<vmem>>) semaphore(%arg7 : memref<!tpu.dma_semaphore, #tpu.memory_space<semaphore_mem>>)
      %mul3A_30 = arith.constant 8 : i32
      %mul3A_31 = arith.muli %scan3A_6, %mul3A_30 : i32
      %add3A_32 = arith.constant 2 : i32
      %add3A_33 = arith.addi %mul3A_31, %add3A_32 : i32
      %dma_start3A_34 = arith.constant 0 : i32
      %dma_start3A_35 = tpu.memref_slice %arg6[%add3A_33, %dma_start3A_34] : memref<392x128xf32, #tpu.memory_space<vmem>> -> memref<1x128xf32, #tpu.memory_space<vmem>>
      %dma_start3A_36 = tpu.memref_squeeze %dma_start3A_35 : memref<1x128xf32, #tpu.memory_space<vmem>> -> memref<128xf32, #tpu.memory_space<vmem>>
      %dma_start3A_37 = arith.constant 0 : i32
      %dma_start3A_38 = tpu.memref_slice %arg5[%add3A_33, %dma_start3A_37] : memref<392x128xi32, #tpu.memory_space<vmem>> -> memref<1x128xi32, #tpu.memory_space<vmem>>
      %dma_start3A_39 = tpu.memref_squeeze %dma_start3A_38 : memref<1x128xi32, #tpu.memory_space<vmem>> -> memref<128xi32, #tpu.memory_space<vmem>>
      %dma_start3A_40 = arith.constant 0 : i32
      %dma_start3A_41 = tpu.memref_slice %arg2[%dma_start3A_40] : memref<800000xf32, #tpu.memory_space<hbm>> -> memref<800000xf32, #tpu.memory_space<hbm>>
      tpu.enqueue_indirect_dma source(%dma_start3A_41 : memref<800000xf32, #tpu.memory_space<hbm>>) target(%dma_start3A_36 : memref<128xf32, #tpu.memory_space<vmem>>) offsets(%dma_start3A_39 : memref<128xi32, #tpu.memory_space<vmem>>) semaphore(%arg7 : memref<!tpu.dma_semaphore, #tpu.memory_space<semaphore_mem>>)
      %mul3A_42 = arith.constant 8 : i32
      %mul3A_43 = arith.muli %scan3A_6, %mul3A_42 : i32
      %add3A_44 = arith.constant 3 : i32
      %add3A_45 = arith.addi %mul3A_43, %add3A_44 : i32
      %dma_start3A_46 = arith.constant 0 : i32
      %dma_start3A_47 = tpu.memref_slice %arg6[%add3A_45, %dma_start3A_46] : memref<392x128xf32, #tpu.memory_space<vmem>> -> memref<1x128xf32, #tpu.memory_space<vmem>>
      %dma_start3A_48 = tpu.memref_squeeze %dma_start3A_47 : memref<1x128xf32, #tpu.memory_space<vmem>> -> memref<128xf32, #tpu.memory_space<vmem>>
      %dma_start3A_49 = arith.constant 0 : i32
      %dma_start3A_50 = tpu.memref_slice %arg5[%add3A_45, %dma_start3A_49] : memref<392x128xi32, #tpu.memory_space<vmem>> -> memref<1x128xi32, #tpu.memory_space<vmem>>
      %dma_start3A_51 = tpu.memref_squeeze %dma_start3A_50 : memref<1x128xi32, #tpu.memory_space<vmem>> -> memref<128xi32, #tpu.memory_space<vmem>>
      %dma_start3A_52 = arith.constant 0 : i32
      %dma_start3A_53 = tpu.memref_slice %arg2[%dma_start3A_52] : memref<800000xf32, #tpu.memory_space<hbm>> -> memref<800000xf32, #tpu.memory_space<hbm>>
      tpu.enqueue_indirect_dma source(%dma_start3A_53 : memref<800000xf32, #tpu.memory_space<hbm>>) target(%dma_start3A_48 : memref<128xf32, #tpu.memory_space<vmem>>) offsets(%dma_start3A_51 : memref<128xi32, #tpu.memory_space<vmem>>) semaphore(%arg7 : memref<!tpu.dma_semaphore, #tpu.memory_space<semaphore_mem>>)
      %mul3A_54 = arith.constant 8 : i32
      %mul3A_55 = arith.muli %scan3A_6, %mul3A_54 : i32
      %add3A_56 = arith.constant 4 : i32
      %add3A_57 = arith.addi %mul3A_55, %add3A_56 : i32
      %dma_start3A_58 = arith.constant 0 : i32
      %dma_start3A_59 = tpu.memref_slice %arg6[%add3A_57, %dma_start3A_58] : memref<392x128xf32, #tpu.memory_space<vmem>> -> memref<1x128xf32, #tpu.memory_space<vmem>>
      %dma_start3A_60 = tpu.memref_squeeze %dma_start3A_59 : memref<1x128xf32, #tpu.memory_space<vmem>> -> memref<128xf32, #tpu.memory_space<vmem>>
      %dma_start3A_61 = arith.constant 0 : i32
      %dma_start3A_62 = tpu.memref_slice %arg5[%add3A_57, %dma_start3A_61] : memref<392x128xi32, #tpu.memory_space<vmem>> -> memref<1x128xi32, #tpu.memory_space<vmem>>
      %dma_start3A_63 = tpu.memref_squeeze %dma_start3A_62 : memref<1x128xi32, #tpu.memory_space<vmem>> -> memref<128xi32, #tpu.memory_space<vmem>>
      %dma_start3A_64 = arith.constant 0 : i32
      %dma_start3A_65 = tpu.memref_slice %arg2[%dma_start3A_64] : memref<800000xf32, #tpu.memory_space<hbm>> -> memref<800000xf32, #tpu.memory_space<hbm>>
      tpu.enqueue_indirect_dma source(%dma_start3A_65 : memref<800000xf32, #tpu.memory_space<hbm>>) target(%dma_start3A_60 : memref<128xf32, #tpu.memory_space<vmem>>) offsets(%dma_start3A_63 : memref<128xi32, #tpu.memory_space<vmem>>) semaphore(%arg7 : memref<!tpu.dma_semaphore, #tpu.memory_space<semaphore_mem>>)
      %mul3A_66 = arith.constant 8 : i32
      %mul3A_67 = arith.muli %scan3A_6, %mul3A_66 : i32
      %add3A_68 = arith.constant 5 : i32
      %add3A_69 = arith.addi %mul3A_67, %add3A_68 : i32
      %dma_start3A_70 = arith.constant 0 : i32
      %dma_start3A_71 = tpu.memref_slice %arg6[%add3A_69, %dma_start3A_70] : memref<392x128xf32, #tpu.memory_space<vmem>> -> memref<1x128xf32, #tpu.memory_space<vmem>>
      %dma_start3A_72 = tpu.memref_squeeze %dma_start3A_71 : memref<1x128xf32, #tpu.memory_space<vmem>> -> memref<128xf32, #tpu.memory_space<vmem>>
      %dma_start3A_73 = arith.constant 0 : i32
      %dma_start3A_74 = tpu.memref_slice %arg5[%add3A_69, %dma_start3A_73] : memref<392x128xi32, #tpu.memory_space<vmem>> -> memref<1x128xi32, #tpu.memory_space<vmem>>
      %dma_start3A_75 = tpu.memref_squeeze %dma_start3A_74 : memref<1x128xi32, #tpu.memory_space<vmem>> -> memref<128xi32, #tpu.memory_space<vmem>>
      %dma_start3A_76 = arith.constant 0 : i32
      %dma_start3A_77 = tpu.memref_slice %arg2[%dma_start3A_76] : memref<800000xf32, #tpu.memory_space<hbm>> -> memref<800000xf32, #tpu.memory_space<hbm>>
      tpu.enqueue_indirect_dma source(%dma_start3A_77 : memref<800000xf32, #tpu.memory_space<hbm>>) target(%dma_start3A_72 : memref<128xf32, #tpu.memory_space<vmem>>) offsets(%dma_start3A_75 : memref<128xi32, #tpu.memory_space<vmem>>) semaphore(%arg7 : memref<!tpu.dma_semaphore, #tpu.memory_space<semaphore_mem>>)
      %mul3A_78 = arith.constant 8 : i32
      %mul3A_79 = arith.muli %scan3A_6, %mul3A_78 : i32
      %add3A_80 = arith.constant 6 : i32
      %add3A_81 = arith.addi %mul3A_79, %add3A_80 : i32
      %dma_start3A_82 = arith.constant 0 : i32
      %dma_start3A_83 = tpu.memref_slice %arg6[%add3A_81, %dma_start3A_82] : memref<392x128xf32, #tpu.memory_space<vmem>> -> memref<1x128xf32, #tpu.memory_space<vmem>>
      %dma_start3A_84 = tpu.memref_squeeze %dma_start3A_83 : memref<1x128xf32, #tpu.memory_space<vmem>> -> memref<128xf32, #tpu.memory_space<vmem>>
      %dma_start3A_85 = arith.constant 0 : i32
      %dma_start3A_86 = tpu.memref_slice %arg5[%add3A_81, %dma_start3A_85] : memref<392x128xi32, #tpu.memory_space<vmem>> -> memref<1x128xi32, #tpu.memory_space<vmem>>
      %dma_start3A_87 = tpu.memref_squeeze %dma_start3A_86 : memref<1x128xi32, #tpu.memory_space<vmem>> -> memref<128xi32, #tpu.memory_space<vmem>>
      %dma_start3A_88 = arith.constant 0 : i32
      %dma_start3A_89 = tpu.memref_slice %arg2[%dma_start3A_88] : memref<800000xf32, #tpu.memory_space<hbm>> -> memref<800000xf32, #tpu.memory_space<hbm>>
      tpu.enqueue_indirect_dma source(%dma_start3A_89 : memref<800000xf32, #tpu.memory_space<hbm>>) target(%dma_start3A_84 : memref<128xf32, #tpu.memory_space<vmem>>) offsets(%dma_start3A_87 : memref<128xi32, #tpu.memory_space<vmem>>) semaphore(%arg7 : memref<!tpu.dma_semaphore, #tpu.memory_space<semaphore_mem>>)
      %mul3A_90 = arith.constant 8 : i32
      %mul3A_91 = arith.muli %scan3A_6, %mul3A_90 : i32
      %add3A_92 = arith.constant 7 : i32
      %add3A_93 = arith.addi %mul3A_91, %add3A_92 : i32
      %dma_start3A_94 = arith.constant 0 : i32
      %dma_start3A_95 = tpu.memref_slice %arg6[%add3A_93, %dma_start3A_94] : memref<392x128xf32, #tpu.memory_space<vmem>> -> memref<1x128xf32, #tpu.memory_space<vmem>>
      %dma_start3A_96 = tpu.memref_squeeze %dma_start3A_95 : memref<1x128xf32, #tpu.memory_space<vmem>> -> memref<128xf32, #tpu.memory_space<vmem>>
      %dma_start3A_97 = arith.constant 0 : i32
      %dma_start3A_98 = tpu.memref_slice %arg5[%add3A_93, %dma_start3A_97] : memref<392x128xi32, #tpu.memory_space<vmem>> -> memref<1x128xi32, #tpu.memory_space<vmem>>
      %dma_start3A_99 = tpu.memref_squeeze %dma_start3A_98 : memref<1x128xi32, #tpu.memory_space<vmem>> -> memref<128xi32, #tpu.memory_space<vmem>>
      %dma_start3A_100 = arith.constant 0 : i32
      %dma_start3A_101 = tpu.memref_slice %arg2[%dma_start3A_100] : memref<800000xf32, #tpu.memory_space<hbm>> -> memref<800000xf32, #tpu.memory_space<hbm>>
      tpu.enqueue_indirect_dma source(%dma_start3A_101 : memref<800000xf32, #tpu.memory_space<hbm>>) target(%dma_start3A_96 : memref<128xf32, #tpu.memory_space<vmem>>) offsets(%dma_start3A_99 : memref<128xi32, #tpu.memory_space<vmem>>) semaphore(%arg7 : memref<!tpu.dma_semaphore, #tpu.memory_space<semaphore_mem>>)
      %dma_wait3A = arith.constant 0 : i32
      %dma_wait3A_102 = tpu.memref_slice %arg6[%add3A_10, %dma_wait3A] : memref<392x128xf32, #tpu.memory_space<vmem>> -> memref<1x128xf32, #tpu.memory_space<vmem>>
      %dma_wait3A_103 = tpu.memref_squeeze %dma_wait3A_102 : memref<1x128xf32, #tpu.memory_space<vmem>> -> memref<128xf32, #tpu.memory_space<vmem>>
      %dma_wait3A_104 = arith.constant 0 : i32
      %dma_wait3A_105 = tpu.memref_slice %arg5[%add3A_10, %dma_wait3A_104] : memref<392x128xi32, #tpu.memory_space<vmem>> -> memref<1x128xi32, #tpu.memory_space<vmem>>
      %dma_wait3A_106 = tpu.memref_squeeze %dma_wait3A_105 : memref<1x128xi32, #tpu.memory_space<vmem>> -> memref<128xi32, #tpu.memory_space<vmem>>
      %dma_wait3A_107 = arith.constant 0 : i32
      %dma_wait3A_108 = tpu.memref_slice %arg2[%dma_wait3A_107] : memref<800000xf32, #tpu.memory_space<hbm>> -> memref<800000xf32, #tpu.memory_space<hbm>>
      tpu.wait_indirect_dma semaphore(%arg7 : memref<!tpu.dma_semaphore, #tpu.memory_space<semaphore_mem>>) src(%dma_wait3A_108 : memref<800000xf32, #tpu.memory_space<hbm>>) dst(%dma_wait3A_103 : memref<128xf32, #tpu.memory_space<vmem>>)
      %dma_wait3A_109 = arith.constant 0 : i32
      %dma_wait3A_110 = tpu.memref_slice %arg6[%add3A_21, %dma_wait3A_109] : memref<392x128xf32, #tpu.memory_space<vmem>> -> memref<1x128xf32, #tpu.memory_space<vmem>>
      %dma_wait3A_111 = tpu.memref_squeeze %dma_wait3A_110 : memref<1x128xf32, #tpu.memory_space<vmem>> -> memref<128xf32, #tpu.memory_space<vmem>>
      %dma_wait3A_112 = arith.constant 0 : i32
      %dma_wait3A_113 = tpu.memref_slice %arg5[%add3A_21, %dma_wait3A_112] : memref<392x128xi32, #tpu.memory_space<vmem>> -> memref<1x128xi32, #tpu.memory_space<vmem>>
      %dma_wait3A_114 = tpu.memref_squeeze %dma_wait3A_113 : memref<1x128xi32, #tpu.memory_space<vmem>> -> memref<128xi32, #tpu.memory_space<vmem>>
      %dma_wait3A_115 = arith.constant 0 : i32
      %dma_wait3A_116 = tpu.memref_slice %arg2[%dma_wait3A_115] : memref<800000xf32, #tpu.memory_space<hbm>> -> memref<800000xf32, #tpu.memory_space<hbm>>
      tpu.wait_indirect_dma semaphore(%arg7 : memref<!tpu.dma_semaphore, #tpu.memory_space<semaphore_mem>>) src(%dma_wait3A_116 : memref<800000xf32, #tpu.memory_space<hbm>>) dst(%dma_wait3A_111 : memref<128xf32, #tpu.memory_space<vmem>>)
      %dma_wait3A_117 = arith.constant 0 : i32
      %dma_wait3A_118 = tpu.memref_slice %arg6[%add3A_33, %dma_wait3A_117] : memref<392x128xf32, #tpu.memory_space<vmem>> -> memref<1x128xf32, #tpu.memory_space<vmem>>
      %dma_wait3A_119 = tpu.memref_squeeze %dma_wait3A_118 : memref<1x128xf32, #tpu.memory_space<vmem>> -> memref<128xf32, #tpu.memory_space<vmem>>
      %dma_wait3A_120 = arith.constant 0 : i32
      %dma_wait3A_121 = tpu.memref_slice %arg5[%add3A_33, %dma_wait3A_120] : memref<392x128xi32, #tpu.memory_space<vmem>> -> memref<1x128xi32, #tpu.memory_space<vmem>>
      %dma_wait3A_122 = tpu.memref_squeeze %dma_wait3A_121 : memref<1x128xi32, #tpu.memory_space<vmem>> -> memref<128xi32, #tpu.memory_space<vmem>>
      %dma_wait3A_123 = arith.constant 0 : i32
      %dma_wait3A_124 = tpu.memref_slice %arg2[%dma_wait3A_123] : memref<800000xf32, #tpu.memory_space<hbm>> -> memref<800000xf32, #tpu.memory_space<hbm>>
      tpu.wait_indirect_dma semaphore(%arg7 : memref<!tpu.dma_semaphore, #tpu.memory_space<semaphore_mem>>) src(%dma_wait3A_124 : memref<800000xf32, #tpu.memory_space<hbm>>) dst(%dma_wait3A_119 : memref<128xf32, #tpu.memory_space<vmem>>)
      %dma_wait3A_125 = arith.constant 0 : i32
      %dma_wait3A_126 = tpu.memref_slice %arg6[%add3A_45, %dma_wait3A_125] : memref<392x128xf32, #tpu.memory_space<vmem>> -> memref<1x128xf32, #tpu.memory_space<vmem>>
      %dma_wait3A_127 = tpu.memref_squeeze %dma_wait3A_126 : memref<1x128xf32, #tpu.memory_space<vmem>> -> memref<128xf32, #tpu.memory_space<vmem>>
      %dma_wait3A_128 = arith.constant 0 : i32
      %dma_wait3A_129 = tpu.memref_slice %arg5[%add3A_45, %dma_wait3A_128] : memref<392x128xi32, #tpu.memory_space<vmem>> -> memref<1x128xi32, #tpu.memory_space<vmem>>
      %dma_wait3A_130 = tpu.memref_squeeze %dma_wait3A_129 : memref<1x128xi32, #tpu.memory_space<vmem>> -> memref<128xi32, #tpu.memory_space<vmem>>
      %dma_wait3A_131 = arith.constant 0 : i32
      %dma_wait3A_132 = tpu.memref_slice %arg2[%dma_wait3A_131] : memref<800000xf32, #tpu.memory_space<hbm>> -> memref<800000xf32, #tpu.memory_space<hbm>>
      tpu.wait_indirect_dma semaphore(%arg7 : memref<!tpu.dma_semaphore, #tpu.memory_space<semaphore_mem>>) src(%dma_wait3A_132 : memref<800000xf32, #tpu.memory_space<hbm>>) dst(%dma_wait3A_127 : memref<128xf32, #tpu.memory_space<vmem>>)
      %dma_wait3A_133 = arith.constant 0 : i32
      %dma_wait3A_134 = tpu.memref_slice %arg6[%add3A_57, %dma_wait3A_133] : memref<392x128xf32, #tpu.memory_space<vmem>> -> memref<1x128xf32, #tpu.memory_space<vmem>>
      %dma_wait3A_135 = tpu.memref_squeeze %dma_wait3A_134 : memref<1x128xf32, #tpu.memory_space<vmem>> -> memref<128xf32, #tpu.memory_space<vmem>>
      %dma_wait3A_136 = arith.constant 0 : i32
      %dma_wait3A_137 = tpu.memref_slice %arg5[%add3A_57, %dma_wait3A_136] : memref<392x128xi32, #tpu.memory_space<vmem>> -> memref<1x128xi32, #tpu.memory_space<vmem>>
      %dma_wait3A_138 = tpu.memref_squeeze %dma_wait3A_137 : memref<1x128xi32, #tpu.memory_space<vmem>> -> memref<128xi32, #tpu.memory_space<vmem>>
      %dma_wait3A_139 = arith.constant 0 : i32
      %dma_wait3A_140 = tpu.memref_slice %arg2[%dma_wait3A_139] : memref<800000xf32, #tpu.memory_space<hbm>> -> memref<800000xf32, #tpu.memory_space<hbm>>
      tpu.wait_indirect_dma semaphore(%arg7 : memref<!tpu.dma_semaphore, #tpu.memory_space<semaphore_mem>>) src(%dma_wait3A_140 : memref<800000xf32, #tpu.memory_space<hbm>>) dst(%dma_wait3A_135 : memref<128xf32, #tpu.memory_space<vmem>>)
      %dma_wait3A_141 = arith.constant 0 : i32
      %dma_wait3A_142 = tpu.memref_slice %arg6[%add3A_69, %dma_wait3A_141] : memref<392x128xf32, #tpu.memory_space<vmem>> -> memref<1x128xf32, #tpu.memory_space<vmem>>
      %dma_wait3A_143 = tpu.memref_squeeze %dma_wait3A_142 : memref<1x128xf32, #tpu.memory_space<vmem>> -> memref<128xf32, #tpu.memory_space<vmem>>
      %dma_wait3A_144 = arith.constant 0 : i32
      %dma_wait3A_145 = tpu.memref_slice %arg5[%add3A_69, %dma_wait3A_144] : memref<392x128xi32, #tpu.memory_space<vmem>> -> memref<1x128xi32, #tpu.memory_space<vmem>>
      %dma_wait3A_146 = tpu.memref_squeeze %dma_wait3A_145 : memref<1x128xi32, #tpu.memory_space<vmem>> -> memref<128xi32, #tpu.memory_space<vmem>>
      %dma_wait3A_147 = arith.constant 0 : i32
      %dma_wait3A_148 = tpu.memref_slice %arg2[%dma_wait3A_147] : memref<800000xf32, #tpu.memory_space<hbm>> -> memref<800000xf32, #tpu.memory_space<hbm>>
      tpu.wait_indirect_dma semaphore(%arg7 : memref<!tpu.dma_semaphore, #tpu.memory_space<semaphore_mem>>) src(%dma_wait3A_148 : memref<800000xf32, #tpu.memory_space<hbm>>) dst(%dma_wait3A_143 : memref<128xf32, #tpu.memory_space<vmem>>)
      %dma_wait3A_149 = arith.constant 0 : i32
      %dma_wait3A_150 = tpu.memref_slice %arg6[%add3A_81, %dma_wait3A_149] : memref<392x128xf32, #tpu.memory_space<vmem>> -> memref<1x128xf32, #tpu.memory_space<vmem>>
      %dma_wait3A_151 = tpu.memref_squeeze %dma_wait3A_150 : memref<1x128xf32, #tpu.memory_space<vmem>> -> memref<128xf32, #tpu.memory_space<vmem>>
      %dma_wait3A_152 = arith.constant 0 : i32
      %dma_wait3A_153 = tpu.memref_slice %arg5[%add3A_81, %dma_wait3A_152] : memref<392x128xi32, #tpu.memory_space<vmem>> -> memref<1x128xi32, #tpu.memory_space<vmem>>
      %dma_wait3A_154 = tpu.memref_squeeze %dma_wait3A_153 : memref<1x128xi32, #tpu.memory_space<vmem>> -> memref<128xi32, #tpu.memory_space<vmem>>
      %dma_wait3A_155 = arith.constant 0 : i32
      %dma_wait3A_156 = tpu.memref_slice %arg2[%dma_wait3A_155] : memref<800000xf32, #tpu.memory_space<hbm>> -> memref<800000xf32, #tpu.memory_space<hbm>>
      tpu.wait_indirect_dma semaphore(%arg7 : memref<!tpu.dma_semaphore, #tpu.memory_space<semaphore_mem>>) src(%dma_wait3A_156 : memref<800000xf32, #tpu.memory_space<hbm>>) dst(%dma_wait3A_151 : memref<128xf32, #tpu.memory_space<vmem>>)
      %dma_wait3A_157 = arith.constant 0 : i32
      %dma_wait3A_158 = tpu.memref_slice %arg6[%add3A_93, %dma_wait3A_157] : memref<392x128xf32, #tpu.memory_space<vmem>> -> memref<1x128xf32, #tpu.memory_space<vmem>>
      %dma_wait3A_159 = tpu.memref_squeeze %dma_wait3A_158 : memref<1x128xf32, #tpu.memory_space<vmem>> -> memref<128xf32, #tpu.memory_space<vmem>>
      %dma_wait3A_160 = arith.constant 0 : i32
      %dma_wait3A_161 = tpu.memref_slice %arg5[%add3A_93, %dma_wait3A_160] : memref<392x128xi32, #tpu.memory_space<vmem>> -> memref<1x128xi32, #tpu.memory_space<vmem>>
      %dma_wait3A_162 = tpu.memref_squeeze %dma_wait3A_161 : memref<1x128xi32, #tpu.memory_space<vmem>> -> memref<128xi32, #tpu.memory_space<vmem>>
      %dma_wait3A_163 = arith.constant 0 : i32
      %dma_wait3A_164 = tpu.memref_slice %arg2[%dma_wait3A_163] : memref<800000xf32, #tpu.memory_space<hbm>> -> memref<800000xf32, #tpu.memory_space<hbm>>
      tpu.wait_indirect_dma semaphore(%arg7 : memref<!tpu.dma_semaphore, #tpu.memory_space<semaphore_mem>>) src(%dma_wait3A_164 : memref<800000xf32, #tpu.memory_space<hbm>>) dst(%dma_wait3A_159 : memref<128xf32, #tpu.memory_space<vmem>>)
    }
    %scan3A_5 = arith.constant 49 : i32
    "tpu.region"() ({
      %run_scoped3A = tpu.sem_alloc : memref<!tpu.dma_semaphore, #tpu.memory_space<semaphore_mem>>
      %dma_start3A = arith.constant 0 : i32
      %dma_start3A_6 = arith.constant 0 : i32
      %dma_start3A_7 = tpu.memref_slice %arg4[%add3A, %dma_start3A, %dma_start3A_6] : memref<32x392x128xf32, #tpu.memory_space<hbm>> -> memref<1x392x128xf32, #tpu.memory_space<hbm>>
      %dma_start3A_8 = tpu.memref_squeeze %dma_start3A_7 : memref<1x392x128xf32, #tpu.memory_space<hbm>> -> memref<392x128xf32, #tpu.memory_space<hbm>>
      %dma_start3A_9 = arith.constant 0 : i32
      %dma_start3A_10 = arith.constant 0 : i32
      %dma_start3A_11 = tpu.memref_slice %arg4[%add3A, %dma_start3A_9, %dma_start3A_10] : memref<32x392x128xf32, #tpu.memory_space<hbm>> -> memref<1x392x128xf32, #tpu.memory_space<hbm>>
      %dma_start3A_12 = tpu.memref_squeeze %dma_start3A_11 : memref<1x392x128xf32, #tpu.memory_space<hbm>> -> memref<392x128xf32, #tpu.memory_space<hbm>>
      tpu.enqueue_dma source(%arg6 : memref<392x128xf32, #tpu.memory_space<vmem>>) target(%dma_start3A_12 : memref<392x128xf32, #tpu.memory_space<hbm>>) target_semaphore(%run_scoped3A : memref<!tpu.dma_semaphore, #tpu.memory_space<semaphore_mem>>)
      %dma_wait3A = arith.constant 0 : i32
      %dma_wait3A_13 = arith.constant 0 : i32
      %dma_wait3A_14 = tpu.memref_slice %arg4[%add3A, %dma_wait3A, %dma_wait3A_13] : memref<32x392x128xf32, #tpu.memory_space<hbm>> -> memref<1x392x128xf32, #tpu.memory_space<hbm>>
      %dma_wait3A_15 = tpu.memref_squeeze %dma_wait3A_14 : memref<1x392x128xf32, #tpu.memory_space<hbm>> -> memref<392x128xf32, #tpu.memory_space<hbm>>
      %dma_wait3A_16 = arith.constant 0 : i32
      %dma_wait3A_17 = arith.constant 0 : i32
      %dma_wait3A_18 = tpu.memref_slice %arg4[%add3A, %dma_wait3A_16, %dma_wait3A_17] : memref<32x392x128xf32, #tpu.memory_space<hbm>> -> memref<1x392x128xf32, #tpu.memory_space<hbm>>
      %dma_wait3A_19 = tpu.memref_squeeze %dma_wait3A_18 : memref<1x392x128xf32, #tpu.memory_space<hbm>> -> memref<392x128xf32, #tpu.memory_space<hbm>>
      tpu.wait_dma2 semaphore(%run_scoped3A : memref<!tpu.dma_semaphore, #tpu.memory_space<semaphore_mem>>) src(%arg6 : memref<392x128xf32, #tpu.memory_space<vmem>>) dst(%dma_wait3A_19 : memref<392x128xf32, #tpu.memory_space<hbm>>)
      tpu.yield
    }) : () -> ()
    return
  }
}

module attributes {stable_mosaic.version = 14 : i64} {
  func.func @body(%arg0: i32, %arg1: memref<1600x2xf32, #tpu.memory_space<vmem>>, %arg2: memref<1600x2xf32, #tpu.memory_space<vmem>>, %arg3: memref<1x84xf32, #tpu.memory_space<vmem>>, %arg4: memref<1x84xf32, #tpu.memory_space<vmem>>, %arg5: memref<1x84xi32, #tpu.memory_space<vmem>>, %arg6: memref<1x84xi32, #tpu.memory_space<vmem>>, %arg7: memref<1600x84xf32, #tpu.memory_space<vmem>>) attributes {dimension_semantics = [#tpu.dimension_semantics<arbitrary>], iteration_bounds = array<i64: 500>, scalar_prefetch = 0 : i64, scratch_operands = 0 : i64, tpu.core_type = #tpu.core_type<tc>, window_params = [{transform_indices = @transform_0, window_bounds = array<i64: 1600, 2>}, {transform_indices = @transform_1, window_bounds = array<i64: 1600, 2>}, {pipeline_mode = #tpu.pipeline_mode<synchronous>, transform_indices = @transform_2, window_bounds = array<i64: 1, 84>}, {pipeline_mode = #tpu.pipeline_mode<synchronous>, transform_indices = @transform_3, window_bounds = array<i64: 1, 84>}, {pipeline_mode = #tpu.pipeline_mode<synchronous>, transform_indices = @transform_4, window_bounds = array<i64: 1, 84>}, {pipeline_mode = #tpu.pipeline_mode<synchronous>, transform_indices = @transform_5, window_bounds = array<i64: 1, 84>}, {transform_indices = @transform_6, window_bounds = array<i64: 1600, 84>}]} {
    %get3A = arith.constant 0 : index
    %get3A_0 = arith.constant 0 : index
    %get3A_1 = vector.load %arg3[%get3A, %get3A_0] : memref<1x84xf32, #tpu.memory_space<vmem>>, vector<1x84xf32>
    %get3A_2 = arith.constant 0 : index
    %get3A_3 = arith.constant 0 : index
    %get3A_4 = vector.load %arg4[%get3A_2, %get3A_3] : memref<1x84xf32, #tpu.memory_space<vmem>>, vector<1x84xf32>
    %get3A_5 = arith.constant 0 : index
    %get3A_6 = arith.constant 0 : index
    %get3A_7 = vector.load %arg5[%get3A_5, %get3A_6] : memref<1x84xi32, #tpu.memory_space<vmem>>, vector<1x84xi32>
    %get3A_8 = arith.constant 0 : index
    %get3A_9 = arith.constant 0 : index
    %get3A_10 = vector.load %arg6[%get3A_8, %get3A_9] : memref<1x84xi32, #tpu.memory_space<vmem>>, vector<1x84xi32>
    %get3A_11 = arith.constant 0 : index
    %get3A_12 = arith.constant 0 : index
    %get3A_13 = vector.load %arg1[%get3A_11, %get3A_12] : memref<1600x2xf32, #tpu.memory_space<vmem>>, vector<1600x2xf32>
    %get3A_14 = arith.constant 0 : index
    %get3A_15 = arith.constant 0 : index
    %get3A_16 = vector.load %arg2[%get3A_14, %get3A_15] : memref<1600x2xf32, #tpu.memory_space<vmem>>, vector<1600x2xf32>
    %slice3A = vector.extract_strided_slice %get3A_13 {offsets = [0, 1], sizes = [1600, 1], strides = [1, 1]} : vector<1600x2xf32> to vector<1600x1xf32>
    %eq3A = arith.constant 0 : i32
    %eq3A_17 = vector.broadcast %eq3A : i32 to vector<1x84xi32>
    %eq3A_18 = arith.cmpi eq, %get3A_10, %eq3A_17 : vector<1x84xi32>
    %slice3A_19 = vector.extract_strided_slice %get3A_13 {offsets = [0, 0], sizes = [1600, 1], strides = [1, 1]} : vector<1600x2xf32> to vector<1600x1xf32>
    %broadcast_in_dim3A = vector.shape_cast %eq3A_18 : vector<1x84xi1> to vector<1x84xi1>
    %broadcast_in_dim3A_20 = vector.broadcast %broadcast_in_dim3A : vector<1x84xi1> to vector<1600x84xi1>
    %broadcast_in_dim3A_21 = vector.shape_cast %slice3A_19 : vector<1600x1xf32> to vector<1600x1xf32>
    %broadcast_in_dim3A_22 = vector.broadcast %broadcast_in_dim3A_21 : vector<1600x1xf32> to vector<1600x84xf32>
    %broadcast_in_dim3A_23 = vector.shape_cast %slice3A : vector<1600x1xf32> to vector<1600x1xf32>
    %broadcast_in_dim3A_24 = vector.broadcast %broadcast_in_dim3A_23 : vector<1600x1xf32> to vector<1600x84xf32>
    %select_n3A = arith.select %broadcast_in_dim3A_20, %broadcast_in_dim3A_22, %broadcast_in_dim3A_24 : vector<1600x84xi1>, vector<1600x84xf32>
    %mul3A = vector.broadcast %get3A_1 : vector<1x84xf32> to vector<1600x84xf32>
    %mul3A_25 = arith.mulf %mul3A, %select_n3A : vector<1600x84xf32>
    %sin3A = math.sin %mul3A_25 : vector<1600x84xf32>
    %cos3A = math.cos %mul3A_25 : vector<1600x84xf32>
    %div3A = arith.divf %sin3A, %mul3A_25 : vector<1600x84xf32>
    %mul3A_26 = arith.mulf %mul3A_25, %mul3A_25 : vector<1600x84xf32>
    %div3A_27 = arith.divf %sin3A, %mul3A_26 : vector<1600x84xf32>
    %div3A_28 = arith.divf %cos3A, %mul3A_25 : vector<1600x84xf32>
    %sub3A = arith.subf %div3A_27, %div3A_28 : vector<1600x84xf32>
    %div3A_29 = arith.constant 3.000000e+00 : f32
    %div3A_30 = vector.broadcast %div3A_29 : f32 to vector<1600x84xf32>
    %div3A_31 = arith.divf %div3A_30, %mul3A_25 : vector<1600x84xf32>
    %mul3A_32 = arith.mulf %div3A_31, %sub3A : vector<1600x84xf32>
    %sub3A_33 = arith.subf %mul3A_32, %div3A : vector<1600x84xf32>
    %ge3A = arith.constant 2 : i32
    %ge3A_34 = vector.broadcast %ge3A : i32 to vector<1x84xi32>
    %ge3A_35 = arith.cmpi sge, %get3A_7, %ge3A_34 : vector<1x84xi32>
    %broadcast_in_dim3A_36 = vector.shape_cast %ge3A_35 : vector<1x84xi1> to vector<1x84xi1>
    %broadcast_in_dim3A_37 = vector.broadcast %broadcast_in_dim3A_36 : vector<1x84xi1> to vector<1600x84xi1>
    %select_n3A_38 = arith.select %broadcast_in_dim3A_37, %sub3A, %div3A : vector<1600x84xi1>, vector<1600x84xf32>
    %broadcast_in_dim3A_39 = vector.shape_cast %ge3A_35 : vector<1x84xi1> to vector<1x84xi1>
    %broadcast_in_dim3A_40 = vector.broadcast %broadcast_in_dim3A_39 : vector<1x84xi1> to vector<1600x84xi1>
    %select_n3A_41 = arith.select %broadcast_in_dim3A_40, %sub3A_33, %sub3A : vector<1600x84xi1>, vector<1600x84xf32>
    %div3A_42 = arith.constant 5.000000e+00 : f32
    %div3A_43 = vector.broadcast %div3A_42 : f32 to vector<1600x84xf32>
    %div3A_44 = arith.divf %div3A_43, %mul3A_25 : vector<1600x84xf32>
    %mul3A_45 = arith.mulf %div3A_44, %select_n3A_41 : vector<1600x84xf32>
    %sub3A_46 = arith.subf %mul3A_45, %select_n3A_38 : vector<1600x84xf32>
    %ge3A_47 = arith.constant 3 : i32
    %ge3A_48 = vector.broadcast %ge3A_47 : i32 to vector<1x84xi32>
    %ge3A_49 = arith.cmpi sge, %get3A_7, %ge3A_48 : vector<1x84xi32>
    %broadcast_in_dim3A_50 = vector.shape_cast %ge3A_49 : vector<1x84xi1> to vector<1x84xi1>
    %broadcast_in_dim3A_51 = vector.broadcast %broadcast_in_dim3A_50 : vector<1x84xi1> to vector<1600x84xi1>
    %select_n3A_52 = arith.select %broadcast_in_dim3A_51, %select_n3A_41, %select_n3A_38 : vector<1600x84xi1>, vector<1600x84xf32>
    %broadcast_in_dim3A_53 = vector.shape_cast %ge3A_49 : vector<1x84xi1> to vector<1x84xi1>
    %broadcast_in_dim3A_54 = vector.broadcast %broadcast_in_dim3A_53 : vector<1x84xi1> to vector<1600x84xi1>
    %select_n3A_55 = arith.select %broadcast_in_dim3A_54, %sub3A_46, %select_n3A_41 : vector<1600x84xi1>, vector<1600x84xf32>
    %div3A_56 = arith.constant 7.000000e+00 : f32
    %div3A_57 = vector.broadcast %div3A_56 : f32 to vector<1600x84xf32>
    %div3A_58 = arith.divf %div3A_57, %mul3A_25 : vector<1600x84xf32>
    %mul3A_59 = arith.mulf %div3A_58, %select_n3A_55 : vector<1600x84xf32>
    %sub3A_60 = arith.subf %mul3A_59, %select_n3A_52 : vector<1600x84xf32>
    %ge3A_61 = arith.constant 4 : i32
    %ge3A_62 = vector.broadcast %ge3A_61 : i32 to vector<1x84xi32>
    %ge3A_63 = arith.cmpi sge, %get3A_7, %ge3A_62 : vector<1x84xi32>
    %broadcast_in_dim3A_64 = vector.shape_cast %ge3A_63 : vector<1x84xi1> to vector<1x84xi1>
    %broadcast_in_dim3A_65 = vector.broadcast %broadcast_in_dim3A_64 : vector<1x84xi1> to vector<1600x84xi1>
    %select_n3A_66 = arith.select %broadcast_in_dim3A_65, %select_n3A_55, %select_n3A_52 : vector<1600x84xi1>, vector<1600x84xf32>
    %broadcast_in_dim3A_67 = vector.shape_cast %ge3A_63 : vector<1x84xi1> to vector<1x84xi1>
    %broadcast_in_dim3A_68 = vector.broadcast %broadcast_in_dim3A_67 : vector<1x84xi1> to vector<1600x84xi1>
    %select_n3A_69 = arith.select %broadcast_in_dim3A_68, %sub3A_60, %select_n3A_55 : vector<1600x84xi1>, vector<1600x84xf32>
    %div3A_70 = arith.constant 9.000000e+00 : f32
    %div3A_71 = vector.broadcast %div3A_70 : f32 to vector<1600x84xf32>
    %div3A_72 = arith.divf %div3A_71, %mul3A_25 : vector<1600x84xf32>
    %mul3A_73 = arith.mulf %div3A_72, %select_n3A_69 : vector<1600x84xf32>
    %sub3A_74 = arith.subf %mul3A_73, %select_n3A_66 : vector<1600x84xf32>
    %ge3A_75 = arith.constant 5 : i32
    %ge3A_76 = vector.broadcast %ge3A_75 : i32 to vector<1x84xi32>
    %ge3A_77 = arith.cmpi sge, %get3A_7, %ge3A_76 : vector<1x84xi32>
    %broadcast_in_dim3A_78 = vector.shape_cast %ge3A_77 : vector<1x84xi1> to vector<1x84xi1>
    %broadcast_in_dim3A_79 = vector.broadcast %broadcast_in_dim3A_78 : vector<1x84xi1> to vector<1600x84xi1>
    %select_n3A_80 = arith.select %broadcast_in_dim3A_79, %select_n3A_69, %select_n3A_66 : vector<1600x84xi1>, vector<1600x84xf32>
    %broadcast_in_dim3A_81 = vector.shape_cast %ge3A_77 : vector<1x84xi1> to vector<1x84xi1>
    %broadcast_in_dim3A_82 = vector.broadcast %broadcast_in_dim3A_81 : vector<1x84xi1> to vector<1600x84xi1>
    %select_n3A_83 = arith.select %broadcast_in_dim3A_82, %sub3A_74, %select_n3A_69 : vector<1600x84xi1>, vector<1600x84xf32>
    %div3A_84 = arith.constant 1.100000e+01 : f32
    %div3A_85 = vector.broadcast %div3A_84 : f32 to vector<1600x84xf32>
    %div3A_86 = arith.divf %div3A_85, %mul3A_25 : vector<1600x84xf32>
    %mul3A_87 = arith.mulf %div3A_86, %select_n3A_83 : vector<1600x84xf32>
    %sub3A_88 = arith.subf %mul3A_87, %select_n3A_80 : vector<1600x84xf32>
    %ge3A_89 = arith.constant 6 : i32
    %ge3A_90 = vector.broadcast %ge3A_89 : i32 to vector<1x84xi32>
    %ge3A_91 = arith.cmpi sge, %get3A_7, %ge3A_90 : vector<1x84xi32>
    %broadcast_in_dim3A_92 = vector.shape_cast %ge3A_91 : vector<1x84xi1> to vector<1x84xi1>
    %broadcast_in_dim3A_93 = vector.broadcast %broadcast_in_dim3A_92 : vector<1x84xi1> to vector<1600x84xi1>
    %select_n3A_94 = arith.select %broadcast_in_dim3A_93, %sub3A_88, %select_n3A_83 : vector<1600x84xi1>, vector<1600x84xf32>
    %eq3A_95 = arith.constant 0 : i32
    %eq3A_96 = vector.broadcast %eq3A_95 : i32 to vector<1x84xi32>
    %eq3A_97 = arith.cmpi eq, %get3A_7, %eq3A_96 : vector<1x84xi32>
    %broadcast_in_dim3A_98 = vector.shape_cast %eq3A_97 : vector<1x84xi1> to vector<1x84xi1>
    %broadcast_in_dim3A_99 = vector.broadcast %broadcast_in_dim3A_98 : vector<1x84xi1> to vector<1600x84xi1>
    %select_n3A_100 = arith.select %broadcast_in_dim3A_99, %div3A, %select_n3A_94 : vector<1600x84xi1>, vector<1600x84xf32>
    %mul3A_101 = vector.broadcast %get3A_4 : vector<1x84xf32> to vector<1600x84xf32>
    %mul3A_102 = arith.mulf %mul3A_101, %select_n3A_100 : vector<1600x84xf32>
    %mul3A_103 = arith.constant 2.000000e-01 : f32
    %mul3A_104 = vector.broadcast %mul3A_103 : f32 to vector<1600x2xf32>
    %mul3A_105 = arith.mulf %get3A_13, %mul3A_104 : vector<1600x2xf32>
    %div3A_106 = arith.constant 1.000000e+00 : f32
    %div3A_107 = vector.broadcast %div3A_106 : f32 to vector<1600x2xf32>
    %div3A_108 = arith.divf %div3A_107, %mul3A_105 : vector<1600x2xf32>
    %integer_pow3A = arith.mulf %mul3A_105, %mul3A_105 : vector<1600x2xf32>
    %integer_pow3A_109 = arith.mulf %integer_pow3A, %integer_pow3A : vector<1600x2xf32>
    %integer_pow3A_110 = arith.mulf %integer_pow3A, %integer_pow3A_109 : vector<1600x2xf32>
    %mul3A_111 = arith.constant -3.600000e+01 : f32
    %mul3A_112 = vector.broadcast %mul3A_111 : f32 to vector<1600x2xf32>
    %mul3A_113 = arith.mulf %mul3A_112, %integer_pow3A_110 : vector<1600x2xf32>
    %add3A = arith.addf %div3A_108, %mul3A_113 : vector<1600x2xf32>
    %integer_pow3A_114 = arith.mulf %mul3A_105, %mul3A_105 : vector<1600x2xf32>
    %integer_pow3A_115 = arith.mulf %mul3A_105, %integer_pow3A_114 : vector<1600x2xf32>
    %integer_pow3A_116 = arith.mulf %integer_pow3A_114, %integer_pow3A_114 : vector<1600x2xf32>
    %integer_pow3A_117 = arith.mulf %integer_pow3A_115, %integer_pow3A_116 : vector<1600x2xf32>
    %mul3A_118 = arith.constant 6.300000e+01 : f32
    %mul3A_119 = vector.broadcast %mul3A_118 : f32 to vector<1600x2xf32>
    %mul3A_120 = arith.mulf %mul3A_119, %integer_pow3A_117 : vector<1600x2xf32>
    %add3A_121 = arith.addf %add3A, %mul3A_120 : vector<1600x2xf32>
    %integer_pow3A_122 = arith.mulf %mul3A_105, %mul3A_105 : vector<1600x2xf32>
    %integer_pow3A_123 = arith.mulf %integer_pow3A_122, %integer_pow3A_122 : vector<1600x2xf32>
    %integer_pow3A_124 = arith.mulf %integer_pow3A_123, %integer_pow3A_123 : vector<1600x2xf32>
    %mul3A_125 = arith.constant -2.800000e+01 : f32
    %mul3A_126 = vector.broadcast %mul3A_125 : f32 to vector<1600x2xf32>
    %mul3A_127 = arith.mulf %mul3A_126, %integer_pow3A_124 : vector<1600x2xf32>
    %add3A_128 = arith.addf %add3A_121, %mul3A_127 : vector<1600x2xf32>
    %lt3A = arith.constant 1.000000e+01 : f32
    %lt3A_129 = vector.broadcast %lt3A : f32 to vector<1600x2xf32>
    %lt3A_130 = arith.cmpf olt, %mul3A_105, %lt3A_129 : vector<1600x2xf32>
    %broadcast_in_dim3A_131 = arith.constant 0.000000e+00 : f32
    %broadcast_in_dim3A_132 = vector.broadcast %broadcast_in_dim3A_131 : f32 to vector<1600x2xf32>
    %select_n3A_133 = arith.select %lt3A_130, %add3A_128, %broadcast_in_dim3A_132 : vector<1600x2xi1>, vector<1600x2xf32>
    %slice3A_134 = vector.extract_strided_slice %select_n3A_133 {offsets = [0, 1], sizes = [1600, 1], strides = [1, 1]} : vector<1600x2xf32> to vector<1600x1xf32>
    %eq3A_135 = arith.constant 0 : i32
    %eq3A_136 = vector.broadcast %eq3A_135 : i32 to vector<1x84xi32>
    %eq3A_137 = arith.cmpi eq, %get3A_10, %eq3A_136 : vector<1x84xi32>
    %slice3A_138 = vector.extract_strided_slice %select_n3A_133 {offsets = [0, 0], sizes = [1600, 1], strides = [1, 1]} : vector<1600x2xf32> to vector<1600x1xf32>
    %broadcast_in_dim3A_139 = vector.shape_cast %eq3A_137 : vector<1x84xi1> to vector<1x84xi1>
    %broadcast_in_dim3A_140 = vector.broadcast %broadcast_in_dim3A_139 : vector<1x84xi1> to vector<1600x84xi1>
    %broadcast_in_dim3A_141 = vector.shape_cast %slice3A_138 : vector<1600x1xf32> to vector<1600x1xf32>
    %broadcast_in_dim3A_142 = vector.broadcast %broadcast_in_dim3A_141 : vector<1600x1xf32> to vector<1600x84xf32>
    %broadcast_in_dim3A_143 = vector.shape_cast %slice3A_134 : vector<1600x1xf32> to vector<1600x1xf32>
    %broadcast_in_dim3A_144 = vector.broadcast %broadcast_in_dim3A_143 : vector<1600x1xf32> to vector<1600x84xf32>
    %select_n3A_145 = arith.select %broadcast_in_dim3A_140, %broadcast_in_dim3A_142, %broadcast_in_dim3A_144 : vector<1600x84xi1>, vector<1600x84xf32>
    %mul3A_146 = arith.mulf %select_n3A_145, %mul3A_102 : vector<1600x84xf32>
    %cos3A_147 = math.cos %get3A_16 : vector<1600x2xf32>
    %broadcast_in_dim3A_148 = arith.constant 1.000000e+00 : f32
    %broadcast_in_dim3A_149 = vector.broadcast %broadcast_in_dim3A_148 : f32 to vector<1600x2xf32>
    %mul3A_150 = arith.constant 3.000000e+00 : f32
    %mul3A_151 = vector.broadcast %mul3A_150 : f32 to vector<1600x2xf32>
    %mul3A_152 = arith.mulf %mul3A_151, %cos3A_147 : vector<1600x2xf32>
    %mul3A_153 = arith.mulf %mul3A_152, %cos3A_147 : vector<1600x2xf32>
    %mul3A_154 = arith.constant 1.000000e+00 : f32
    %mul3A_155 = vector.broadcast %mul3A_154 : f32 to vector<1600x2xf32>
    %mul3A_156 = arith.mulf %mul3A_155, %broadcast_in_dim3A_149 : vector<1600x2xf32>
    %sub3A_157 = arith.subf %mul3A_153, %mul3A_156 : vector<1600x2xf32>
    %div3A_158 = arith.constant 2.000000e+00 : f32
    %div3A_159 = vector.broadcast %div3A_158 : f32 to vector<1600x2xf32>
    %div3A_160 = arith.divf %sub3A_157, %div3A_159 : vector<1600x2xf32>
    %mul3A_161 = arith.constant 5.000000e+00 : f32
    %mul3A_162 = vector.broadcast %mul3A_161 : f32 to vector<1600x2xf32>
    %mul3A_163 = arith.mulf %mul3A_162, %cos3A_147 : vector<1600x2xf32>
    %mul3A_164 = arith.mulf %mul3A_163, %div3A_160 : vector<1600x2xf32>
    %mul3A_165 = arith.constant 2.000000e+00 : f32
    %mul3A_166 = vector.broadcast %mul3A_165 : f32 to vector<1600x2xf32>
    %mul3A_167 = arith.mulf %mul3A_166, %cos3A_147 : vector<1600x2xf32>
    %sub3A_168 = arith.subf %mul3A_164, %mul3A_167 : vector<1600x2xf32>
    %div3A_169 = arith.constant 3.000000e+00 : f32
    %div3A_170 = vector.broadcast %div3A_169 : f32 to vector<1600x2xf32>
    %div3A_171 = arith.divf %sub3A_168, %div3A_170 : vector<1600x2xf32>
    %mul3A_172 = arith.constant 7.000000e+00 : f32
    %mul3A_173 = vector.broadcast %mul3A_172 : f32 to vector<1600x2xf32>
    %mul3A_174 = arith.mulf %mul3A_173, %cos3A_147 : vector<1600x2xf32>
    %mul3A_175 = arith.mulf %mul3A_174, %div3A_171 : vector<1600x2xf32>
    %mul3A_176 = arith.constant 3.000000e+00 : f32
    %mul3A_177 = vector.broadcast %mul3A_176 : f32 to vector<1600x2xf32>
    %mul3A_178 = arith.mulf %mul3A_177, %div3A_160 : vector<1600x2xf32>
    %sub3A_179 = arith.subf %mul3A_175, %mul3A_178 : vector<1600x2xf32>
    %div3A_180 = arith.constant 4.000000e+00 : f32
    %div3A_181 = vector.broadcast %div3A_180 : f32 to vector<1600x2xf32>
    %div3A_182 = arith.divf %sub3A_179, %div3A_181 : vector<1600x2xf32>
    %mul3A_183 = arith.constant 9.000000e+00 : f32
    %mul3A_184 = vector.broadcast %mul3A_183 : f32 to vector<1600x2xf32>
    %mul3A_185 = arith.mulf %mul3A_184, %cos3A_147 : vector<1600x2xf32>
    %mul3A_186 = arith.mulf %mul3A_185, %div3A_182 : vector<1600x2xf32>
    %mul3A_187 = arith.constant 4.000000e+00 : f32
    %mul3A_188 = vector.broadcast %mul3A_187 : f32 to vector<1600x2xf32>
    %mul3A_189 = arith.mulf %mul3A_188, %div3A_171 : vector<1600x2xf32>
    %sub3A_190 = arith.subf %mul3A_186, %mul3A_189 : vector<1600x2xf32>
    %div3A_191 = arith.constant 5.000000e+00 : f32
    %div3A_192 = vector.broadcast %div3A_191 : f32 to vector<1600x2xf32>
    %div3A_193 = arith.divf %sub3A_190, %div3A_192 : vector<1600x2xf32>
    %mul3A_194 = arith.constant 1.100000e+01 : f32
    %mul3A_195 = vector.broadcast %mul3A_194 : f32 to vector<1600x2xf32>
    %mul3A_196 = arith.mulf %mul3A_195, %cos3A_147 : vector<1600x2xf32>
    %mul3A_197 = arith.mulf %mul3A_196, %div3A_193 : vector<1600x2xf32>
    %mul3A_198 = arith.constant 5.000000e+00 : f32
    %mul3A_199 = vector.broadcast %mul3A_198 : f32 to vector<1600x2xf32>
    %mul3A_200 = arith.mulf %mul3A_199, %div3A_182 : vector<1600x2xf32>
    %sub3A_201 = arith.subf %mul3A_197, %mul3A_200 : vector<1600x2xf32>
    %div3A_202 = arith.constant 6.000000e+00 : f32
    %div3A_203 = vector.broadcast %div3A_202 : f32 to vector<1600x2xf32>
    %div3A_204 = arith.divf %sub3A_201, %div3A_203 : vector<1600x2xf32>
    %mul3A_205 = arith.constant 0.282094806 : f32
    %mul3A_206 = vector.broadcast %mul3A_205 : f32 to vector<1600x2xf32>
    %mul3A_207 = arith.mulf %mul3A_206, %broadcast_in_dim3A_149 : vector<1600x2xf32>
    %slice3A_208 = vector.extract_strided_slice %mul3A_207 {offsets = [0, 1], sizes = [1600, 1], strides = [1, 1]} : vector<1600x2xf32> to vector<1600x1xf32>
    %eq3A_209 = arith.constant 0 : i32
    %eq3A_210 = vector.broadcast %eq3A_209 : i32 to vector<1x84xi32>
    %eq3A_211 = arith.cmpi eq, %get3A_10, %eq3A_210 : vector<1x84xi32>
    %slice3A_212 = vector.extract_strided_slice %mul3A_207 {offsets = [0, 0], sizes = [1600, 1], strides = [1, 1]} : vector<1600x2xf32> to vector<1600x1xf32>
    %broadcast_in_dim3A_213 = vector.shape_cast %eq3A_211 : vector<1x84xi1> to vector<1x84xi1>
    %broadcast_in_dim3A_214 = vector.broadcast %broadcast_in_dim3A_213 : vector<1x84xi1> to vector<1600x84xi1>
    %broadcast_in_dim3A_215 = vector.shape_cast %slice3A_212 : vector<1600x1xf32> to vector<1600x1xf32>
    %broadcast_in_dim3A_216 = vector.broadcast %broadcast_in_dim3A_215 : vector<1600x1xf32> to vector<1600x84xf32>
    %broadcast_in_dim3A_217 = vector.shape_cast %slice3A_208 : vector<1600x1xf32> to vector<1600x1xf32>
    %broadcast_in_dim3A_218 = vector.broadcast %broadcast_in_dim3A_217 : vector<1600x1xf32> to vector<1600x84xf32>
    %select_n3A_219 = arith.select %broadcast_in_dim3A_214, %broadcast_in_dim3A_216, %broadcast_in_dim3A_218 : vector<1600x84xi1>, vector<1600x84xf32>
    %mul3A_220 = arith.constant 0.488602519 : f32
    %mul3A_221 = vector.broadcast %mul3A_220 : f32 to vector<1600x2xf32>
    %mul3A_222 = arith.mulf %mul3A_221, %cos3A_147 : vector<1600x2xf32>
    %slice3A_223 = vector.extract_strided_slice %mul3A_222 {offsets = [0, 1], sizes = [1600, 1], strides = [1, 1]} : vector<1600x2xf32> to vector<1600x1xf32>
    %eq3A_224 = arith.constant 0 : i32
    %eq3A_225 = vector.broadcast %eq3A_224 : i32 to vector<1x84xi32>
    %eq3A_226 = arith.cmpi eq, %get3A_10, %eq3A_225 : vector<1x84xi32>
    %slice3A_227 = vector.extract_strided_slice %mul3A_222 {offsets = [0, 0], sizes = [1600, 1], strides = [1, 1]} : vector<1600x2xf32> to vector<1600x1xf32>
    %broadcast_in_dim3A_228 = vector.shape_cast %eq3A_226 : vector<1x84xi1> to vector<1x84xi1>
    %broadcast_in_dim3A_229 = vector.broadcast %broadcast_in_dim3A_228 : vector<1x84xi1> to vector<1600x84xi1>
    %broadcast_in_dim3A_230 = vector.shape_cast %slice3A_227 : vector<1600x1xf32> to vector<1600x1xf32>
    %broadcast_in_dim3A_231 = vector.broadcast %broadcast_in_dim3A_230 : vector<1600x1xf32> to vector<1600x84xf32>
    %broadcast_in_dim3A_232 = vector.shape_cast %slice3A_223 : vector<1600x1xf32> to vector<1600x1xf32>
    %broadcast_in_dim3A_233 = vector.broadcast %broadcast_in_dim3A_232 : vector<1600x1xf32> to vector<1600x84xf32>
    %select_n3A_234 = arith.select %broadcast_in_dim3A_229, %broadcast_in_dim3A_231, %broadcast_in_dim3A_233 : vector<1600x84xi1>, vector<1600x84xf32>
    %mul3A_235 = arith.constant 0.63078314 : f32
    %mul3A_236 = vector.broadcast %mul3A_235 : f32 to vector<1600x2xf32>
    %mul3A_237 = arith.mulf %mul3A_236, %div3A_160 : vector<1600x2xf32>
    %slice3A_238 = vector.extract_strided_slice %mul3A_237 {offsets = [0, 1], sizes = [1600, 1], strides = [1, 1]} : vector<1600x2xf32> to vector<1600x1xf32>
    %eq3A_239 = arith.constant 0 : i32
    %eq3A_240 = vector.broadcast %eq3A_239 : i32 to vector<1x84xi32>
    %eq3A_241 = arith.cmpi eq, %get3A_10, %eq3A_240 : vector<1x84xi32>
    %slice3A_242 = vector.extract_strided_slice %mul3A_237 {offsets = [0, 0], sizes = [1600, 1], strides = [1, 1]} : vector<1600x2xf32> to vector<1600x1xf32>
    %broadcast_in_dim3A_243 = vector.shape_cast %eq3A_241 : vector<1x84xi1> to vector<1x84xi1>
    %broadcast_in_dim3A_244 = vector.broadcast %broadcast_in_dim3A_243 : vector<1x84xi1> to vector<1600x84xi1>
    %broadcast_in_dim3A_245 = vector.shape_cast %slice3A_242 : vector<1600x1xf32> to vector<1600x1xf32>
    %broadcast_in_dim3A_246 = vector.broadcast %broadcast_in_dim3A_245 : vector<1600x1xf32> to vector<1600x84xf32>
    %broadcast_in_dim3A_247 = vector.shape_cast %slice3A_238 : vector<1600x1xf32> to vector<1600x1xf32>
    %broadcast_in_dim3A_248 = vector.broadcast %broadcast_in_dim3A_247 : vector<1600x1xf32> to vector<1600x84xf32>
    %select_n3A_249 = arith.select %broadcast_in_dim3A_244, %broadcast_in_dim3A_246, %broadcast_in_dim3A_248 : vector<1600x84xi1>, vector<1600x84xf32>
    %mul3A_250 = arith.constant 0.746352672 : f32
    %mul3A_251 = vector.broadcast %mul3A_250 : f32 to vector<1600x2xf32>
    %mul3A_252 = arith.mulf %mul3A_251, %div3A_171 : vector<1600x2xf32>
    %slice3A_253 = vector.extract_strided_slice %mul3A_252 {offsets = [0, 1], sizes = [1600, 1], strides = [1, 1]} : vector<1600x2xf32> to vector<1600x1xf32>
    %eq3A_254 = arith.constant 0 : i32
    %eq3A_255 = vector.broadcast %eq3A_254 : i32 to vector<1x84xi32>
    %eq3A_256 = arith.cmpi eq, %get3A_10, %eq3A_255 : vector<1x84xi32>
    %slice3A_257 = vector.extract_strided_slice %mul3A_252 {offsets = [0, 0], sizes = [1600, 1], strides = [1, 1]} : vector<1600x2xf32> to vector<1600x1xf32>
    %broadcast_in_dim3A_258 = vector.shape_cast %eq3A_256 : vector<1x84xi1> to vector<1x84xi1>
    %broadcast_in_dim3A_259 = vector.broadcast %broadcast_in_dim3A_258 : vector<1x84xi1> to vector<1600x84xi1>
    %broadcast_in_dim3A_260 = vector.shape_cast %slice3A_257 : vector<1600x1xf32> to vector<1600x1xf32>
    %broadcast_in_dim3A_261 = vector.broadcast %broadcast_in_dim3A_260 : vector<1600x1xf32> to vector<1600x84xf32>
    %broadcast_in_dim3A_262 = vector.shape_cast %slice3A_253 : vector<1600x1xf32> to vector<1600x1xf32>
    %broadcast_in_dim3A_263 = vector.broadcast %broadcast_in_dim3A_262 : vector<1600x1xf32> to vector<1600x84xf32>
    %select_n3A_264 = arith.select %broadcast_in_dim3A_259, %broadcast_in_dim3A_261, %broadcast_in_dim3A_263 : vector<1600x84xi1>, vector<1600x84xf32>
    %mul3A_265 = arith.constant 0.846284389 : f32
    %mul3A_266 = vector.broadcast %mul3A_265 : f32 to vector<1600x2xf32>
    %mul3A_267 = arith.mulf %mul3A_266, %div3A_182 : vector<1600x2xf32>
    %slice3A_268 = vector.extract_strided_slice %mul3A_267 {offsets = [0, 1], sizes = [1600, 1], strides = [1, 1]} : vector<1600x2xf32> to vector<1600x1xf32>
    %eq3A_269 = arith.constant 0 : i32
    %eq3A_270 = vector.broadcast %eq3A_269 : i32 to vector<1x84xi32>
    %eq3A_271 = arith.cmpi eq, %get3A_10, %eq3A_270 : vector<1x84xi32>
    %slice3A_272 = vector.extract_strided_slice %mul3A_267 {offsets = [0, 0], sizes = [1600, 1], strides = [1, 1]} : vector<1600x2xf32> to vector<1600x1xf32>
    %broadcast_in_dim3A_273 = vector.shape_cast %eq3A_271 : vector<1x84xi1> to vector<1x84xi1>
    %broadcast_in_dim3A_274 = vector.broadcast %broadcast_in_dim3A_273 : vector<1x84xi1> to vector<1600x84xi1>
    %broadcast_in_dim3A_275 = vector.shape_cast %slice3A_272 : vector<1600x1xf32> to vector<1600x1xf32>
    %broadcast_in_dim3A_276 = vector.broadcast %broadcast_in_dim3A_275 : vector<1600x1xf32> to vector<1600x84xf32>
    %broadcast_in_dim3A_277 = vector.shape_cast %slice3A_268 : vector<1600x1xf32> to vector<1600x1xf32>
    %broadcast_in_dim3A_278 = vector.broadcast %broadcast_in_dim3A_277 : vector<1600x1xf32> to vector<1600x84xf32>
    %select_n3A_279 = arith.select %broadcast_in_dim3A_274, %broadcast_in_dim3A_276, %broadcast_in_dim3A_278 : vector<1600x84xi1>, vector<1600x84xf32>
    %mul3A_280 = arith.constant 0.935602605 : f32
    %mul3A_281 = vector.broadcast %mul3A_280 : f32 to vector<1600x2xf32>
    %mul3A_282 = arith.mulf %mul3A_281, %div3A_193 : vector<1600x2xf32>
    %slice3A_283 = vector.extract_strided_slice %mul3A_282 {offsets = [0, 1], sizes = [1600, 1], strides = [1, 1]} : vector<1600x2xf32> to vector<1600x1xf32>
    %eq3A_284 = arith.constant 0 : i32
    %eq3A_285 = vector.broadcast %eq3A_284 : i32 to vector<1x84xi32>
    %eq3A_286 = arith.cmpi eq, %get3A_10, %eq3A_285 : vector<1x84xi32>
    %slice3A_287 = vector.extract_strided_slice %mul3A_282 {offsets = [0, 0], sizes = [1600, 1], strides = [1, 1]} : vector<1600x2xf32> to vector<1600x1xf32>
    %broadcast_in_dim3A_288 = vector.shape_cast %eq3A_286 : vector<1x84xi1> to vector<1x84xi1>
    %broadcast_in_dim3A_289 = vector.broadcast %broadcast_in_dim3A_288 : vector<1x84xi1> to vector<1600x84xi1>
    %broadcast_in_dim3A_290 = vector.shape_cast %slice3A_287 : vector<1600x1xf32> to vector<1600x1xf32>
    %broadcast_in_dim3A_291 = vector.broadcast %broadcast_in_dim3A_290 : vector<1600x1xf32> to vector<1600x84xf32>
    %broadcast_in_dim3A_292 = vector.shape_cast %slice3A_283 : vector<1600x1xf32> to vector<1600x1xf32>
    %broadcast_in_dim3A_293 = vector.broadcast %broadcast_in_dim3A_292 : vector<1600x1xf32> to vector<1600x84xf32>
    %select_n3A_294 = arith.select %broadcast_in_dim3A_289, %broadcast_in_dim3A_291, %broadcast_in_dim3A_293 : vector<1600x84xi1>, vector<1600x84xf32>
    %mul3A_295 = arith.constant 1.01710725 : f32
    %mul3A_296 = vector.broadcast %mul3A_295 : f32 to vector<1600x2xf32>
    %mul3A_297 = arith.mulf %mul3A_296, %div3A_204 : vector<1600x2xf32>
    %slice3A_298 = vector.extract_strided_slice %mul3A_297 {offsets = [0, 1], sizes = [1600, 1], strides = [1, 1]} : vector<1600x2xf32> to vector<1600x1xf32>
    %eq3A_299 = arith.constant 0 : i32
    %eq3A_300 = vector.broadcast %eq3A_299 : i32 to vector<1x84xi32>
    %eq3A_301 = arith.cmpi eq, %get3A_10, %eq3A_300 : vector<1x84xi32>
    %slice3A_302 = vector.extract_strided_slice %mul3A_297 {offsets = [0, 0], sizes = [1600, 1], strides = [1, 1]} : vector<1600x2xf32> to vector<1600x1xf32>
    %broadcast_in_dim3A_303 = vector.shape_cast %eq3A_301 : vector<1x84xi1> to vector<1x84xi1>
    %broadcast_in_dim3A_304 = vector.broadcast %broadcast_in_dim3A_303 : vector<1x84xi1> to vector<1600x84xi1>
    %broadcast_in_dim3A_305 = vector.shape_cast %slice3A_302 : vector<1600x1xf32> to vector<1600x1xf32>
    %broadcast_in_dim3A_306 = vector.broadcast %broadcast_in_dim3A_305 : vector<1600x1xf32> to vector<1600x84xf32>
    %broadcast_in_dim3A_307 = vector.shape_cast %slice3A_298 : vector<1600x1xf32> to vector<1600x1xf32>
    %broadcast_in_dim3A_308 = vector.broadcast %broadcast_in_dim3A_307 : vector<1600x1xf32> to vector<1600x84xf32>
    %select_n3A_309 = arith.select %broadcast_in_dim3A_304, %broadcast_in_dim3A_306, %broadcast_in_dim3A_308 : vector<1600x84xi1>, vector<1600x84xf32>
    %eq3A_310 = arith.constant 5 : i32
    %eq3A_311 = vector.broadcast %eq3A_310 : i32 to vector<1x84xi32>
    %eq3A_312 = arith.cmpi eq, %get3A_7, %eq3A_311 : vector<1x84xi32>
    %broadcast_in_dim3A_313 = vector.shape_cast %eq3A_312 : vector<1x84xi1> to vector<1x84xi1>
    %broadcast_in_dim3A_314 = vector.broadcast %broadcast_in_dim3A_313 : vector<1x84xi1> to vector<1600x84xi1>
    %select_n3A_315 = arith.select %broadcast_in_dim3A_314, %select_n3A_294, %select_n3A_309 : vector<1600x84xi1>, vector<1600x84xf32>
    %eq3A_316 = arith.constant 4 : i32
    %eq3A_317 = vector.broadcast %eq3A_316 : i32 to vector<1x84xi32>
    %eq3A_318 = arith.cmpi eq, %get3A_7, %eq3A_317 : vector<1x84xi32>
    %broadcast_in_dim3A_319 = vector.shape_cast %eq3A_318 : vector<1x84xi1> to vector<1x84xi1>
    %broadcast_in_dim3A_320 = vector.broadcast %broadcast_in_dim3A_319 : vector<1x84xi1> to vector<1600x84xi1>
    %select_n3A_321 = arith.select %broadcast_in_dim3A_320, %select_n3A_279, %select_n3A_315 : vector<1600x84xi1>, vector<1600x84xf32>
    %eq3A_322 = arith.constant 3 : i32
    %eq3A_323 = vector.broadcast %eq3A_322 : i32 to vector<1x84xi32>
    %eq3A_324 = arith.cmpi eq, %get3A_7, %eq3A_323 : vector<1x84xi32>
    %broadcast_in_dim3A_325 = vector.shape_cast %eq3A_324 : vector<1x84xi1> to vector<1x84xi1>
    %broadcast_in_dim3A_326 = vector.broadcast %broadcast_in_dim3A_325 : vector<1x84xi1> to vector<1600x84xi1>
    %select_n3A_327 = arith.select %broadcast_in_dim3A_326, %select_n3A_264, %select_n3A_321 : vector<1600x84xi1>, vector<1600x84xf32>
    %eq3A_328 = arith.constant 2 : i32
    %eq3A_329 = vector.broadcast %eq3A_328 : i32 to vector<1x84xi32>
    %eq3A_330 = arith.cmpi eq, %get3A_7, %eq3A_329 : vector<1x84xi32>
    %broadcast_in_dim3A_331 = vector.shape_cast %eq3A_330 : vector<1x84xi1> to vector<1x84xi1>
    %broadcast_in_dim3A_332 = vector.broadcast %broadcast_in_dim3A_331 : vector<1x84xi1> to vector<1600x84xi1>
    %select_n3A_333 = arith.select %broadcast_in_dim3A_332, %select_n3A_249, %select_n3A_327 : vector<1600x84xi1>, vector<1600x84xf32>
    %eq3A_334 = arith.constant 1 : i32
    %eq3A_335 = vector.broadcast %eq3A_334 : i32 to vector<1x84xi32>
    %eq3A_336 = arith.cmpi eq, %get3A_7, %eq3A_335 : vector<1x84xi32>
    %broadcast_in_dim3A_337 = vector.shape_cast %eq3A_336 : vector<1x84xi1> to vector<1x84xi1>
    %broadcast_in_dim3A_338 = vector.broadcast %broadcast_in_dim3A_337 : vector<1x84xi1> to vector<1600x84xi1>
    %select_n3A_339 = arith.select %broadcast_in_dim3A_338, %select_n3A_234, %select_n3A_333 : vector<1600x84xi1>, vector<1600x84xf32>
    %eq3A_340 = arith.constant 0 : i32
    %eq3A_341 = vector.broadcast %eq3A_340 : i32 to vector<1x84xi32>
    %eq3A_342 = arith.cmpi eq, %get3A_7, %eq3A_341 : vector<1x84xi32>
    %broadcast_in_dim3A_343 = vector.shape_cast %eq3A_342 : vector<1x84xi1> to vector<1x84xi1>
    %broadcast_in_dim3A_344 = vector.broadcast %broadcast_in_dim3A_343 : vector<1x84xi1> to vector<1600x84xi1>
    %select_n3A_345 = arith.select %broadcast_in_dim3A_344, %select_n3A_219, %select_n3A_339 : vector<1600x84xi1>, vector<1600x84xf32>
    %mul3A_346 = arith.mulf %mul3A_146, %select_n3A_345 : vector<1600x84xf32>
    %swap3A = arith.constant 0 : index
    %swap3A_347 = arith.constant 0 : index
    %swap3A_348 = vector.load %arg7[%swap3A, %swap3A_347] : memref<1600x84xf32, #tpu.memory_space<vmem>>, vector<1600x84xf32>
    tpu.vector_store %arg7[%swap3A, %swap3A_347], %mul3A_346 {strides = array<i32>} : memref<1600x84xf32, #tpu.memory_space<vmem>>, vector<1600x84xf32>,
    return
  }
  func.func @transform_0(%arg0: i32) -> (i32, i32) {
    %c0_i32 = arith.constant 0 : i32
    %c0_i32_0 = arith.constant 0 : i32
    return %arg0, %c0_i32 : i32, i32
  }
  func.func @transform_1(%arg0: i32) -> (i32, i32) {
    %c0_i32 = arith.constant 0 : i32
    %c0_i32_0 = arith.constant 0 : i32
    return %arg0, %c0_i32 : i32, i32
  }
  func.func @transform_2(%arg0: i32) -> (i32, i32) {
    %c0_i32 = arith.constant 0 : i32
    %c0_i32_0 = arith.constant 0 : i32
    %c0_i32_1 = arith.constant 0 : i32
    return %c0_i32, %c0_i32_0 : i32, i32
  }
  func.func @transform_3(%arg0: i32) -> (i32, i32) {
    %c0_i32 = arith.constant 0 : i32
    %c0_i32_0 = arith.constant 0 : i32
    %c0_i32_1 = arith.constant 0 : i32
    return %c0_i32, %c0_i32_0 : i32, i32
  }
  func.func @transform_4(%arg0: i32) -> (i32, i32) {
    %c0_i32 = arith.constant 0 : i32
    %c0_i32_0 = arith.constant 0 : i32
    %c0_i32_1 = arith.constant 0 : i32
    return %c0_i32, %c0_i32_0 : i32, i32
  }
  func.func @transform_5(%arg0: i32) -> (i32, i32) {
    %c0_i32 = arith.constant 0 : i32
    %c0_i32_0 = arith.constant 0 : i32
    %c0_i32_1 = arith.constant 0 : i32
    return %c0_i32, %c0_i32_0 : i32, i32
  }
  func.func @transform_6(%arg0: i32) -> (i32, i32) {
    %c0_i32 = arith.constant 0 : i32
    %c0_i32_0 = arith.constant 0 : i32
    return %arg0, %c0_i32 : i32, i32
  }
}

</mosaic_0001>

<sc_bundles>
// kernel: kernel.4.cloned.1.call-start
scs
__scs_entry_jumppad:
0x0: {  	(pc) =	sbr.rel $0x88, $3  }
0x1: {  	(tag) =	ssettag $0x0;
	lr =	simm.s32 $0x1  }
0x2: {  	[smem:$0x3F9E] =	sst lr;
	_ =	strace $0xD0000000  }
0x3: {  	_ = 	snop  }
0x4: {  	_ = 	snop  }
0x5: {  	_ = 	snop  }
0x6: {  	_ = 	snop  }
0x7: {  	_ = 	snop  }
__scs_overlays_trampoline_lowered:
0x8: {  	[smem:$0x3FAD] =	sst s0  }
0x9: {  	[smem:$0x3FAE] =	sst s1  }
0xa: {  	[smem:$0x3FAF] =	sst s2  }
0xb: {  	[smem:$0x3FB0] =	sst s3  }
0xc: {  	[smem:$0x3FB1] =	sst s4  }
0xd: {  	[smem:$0x3FB2] =	sst s5  }
0xe: {  	[smem:$0x3FB3] =	sst s6  }
0xf: {  	[smem:$0x3FB4] =	sst s7  }
0x10: {  	[smem:$0x3FB5] =	sst s8  }
0x11: {  	[smem:$0x3FB6] =	sst s9;
	s0 =	simm.s32 @!p0 $0x0  }
0x12: {  	s1 =	sld [smem:$0x3F9C];
	s0 =	simm.s32 @p0 $0x1  }
0x13: {  	[smem:$0x3FB7] =	sst s0;
	s0 =	simm.s32 @!p1 $0x0  }
0x14: {  	s2 =	sld [smem:$0x3F9B];
	s0 =	simm.s32 @p1 $0x1  }
0x15: {  	[smem:$0x3FB8] =	sst s0;
	s0 =	simm.s32 @!p2 $0x0  }
0x16: {  	s3 =	sld [smem:$0x3FDB];
	s0 =	simm.s32 @p2 $0x1  }
0x17: {  	s4 =	simm.s32 $0x1BF5;
	[smem:$0x3FBA] =	sst s0  }
0x18: {  	s0 =	sld [smem:$0x3F9D];
	_ =	swait.ge [sflag:s4], $0x0  }
0x19: {  	s7 =	sld [smem:$0x3F9E]  }
0x1a: {  	s8 =	sadd.s32 $0xFFFFE003, lr  }
0x1b: {  	s9 =	sadd.s32 $0xFFFFFEF7, lr;
	s5 =	simm.s32 $0xFFFFFFFF;
	p2 =	slt.u32 s8, $0xFFFFF086  }
0x1c: {  	p1 =	slt.u32 s9, $0xF7A;
	s5 =	simm.s32 @!p2 $0x0  }
0x1d: {  	s5 =	simm.s32 @p1 $0x1;
	p0 =	seq.s32 s7, s2  }
0x1e: {  	s7 =	smul.u32 @!p0 $0xF7A, s2;
	p2 =	seq.s32 @!p0 s5, $0x0  }
0x1f: {  	s9 =	smul.u32 $0xF7A, s1;
	s8 =	simm.s32 @!p0 $0x1BF5;
	p2 =	por !p2, p0  }
0x20: {  	[sflag:s8] =	ssyncset.s32 @!p0 $0xFFFFF086;
	s6 =	sadd.s32 @!p0 s3, s7;
	s7 =	simm.s32 @!p0 $0x108  }
0x21: {  	s3 =	sadd.s32 s3, s9;
	s6 =	sadd.s32 @!p0 $0x88, s6;
	s7 =	simm.s32 @p2 $0x1082  }
0x22: {  	[simem:s7], [sflag:s8] =	dma.local @!p0 [hbm:s6], $0xF7A  }
0x23: {  	s9 =	sor.u32 $0xD0000000, s2;
	s6 =	simm.s32 $0x108;
	_ =	swait.ge @!p0 [sflag:s8], $0x0  }
0x24: {  	s3 =	sadd.s32 $0x88, s3;
	s6 =	simm.s32 @!p1 $0x1082;
	[sflag:s4] =	ssyncset.s32 $0xFFFFF086  }
0x25: {  	[simem:s6], [sflag:s4] =	dma.local [hbm:s3], $0xF7A  }
0x26: {  	[smem:$0x3F9E] =	sst s1;
	(tag) =	ssettag s2;
	_ =	strace s9  }
0x27: {  	s1 =	sld [smem:$0x3FAE]  }
0x28: {  	s2 =	sld [smem:$0x3FAF]  }
0x29: {  	s4 =	sld [smem:$0x3FB1]  }
0x2a: {  	p0 =	seq.s32 s5, $0x0;
	s5 =	sld [smem:$0x3FB2]  }
0x2b: {  	s6 =	sld [smem:$0x3FB3]  }
0x2c: {  	s7 =	sld [smem:$0x3FB4]  }
0x2d: {  	s3 =	simm.s32 $0x108;
	s8 =	sld [smem:$0x3FB5]  }
0x2e: {  	s3 =	simm.s32 @!p0 $0x1082;
	s9 =	sld [smem:$0x3FB6]  }
0x2f: {  	lr =	sadd.s32 s0, s3;
	s0 =	sld [smem:$0x3FAD]  }
0x30: {  	s3 =	sld [smem:$0x3FB0]  }
0x31: {  	[smem:$0x3FB9] =	sst s10  }
0x32: {  	s10 =	sld [smem:$0x3FB7];
	_ =	sdelay $0x3  }
0x33: {  	p0 =	seq.s32 s10, $0x1;
	s10 =	sld [smem:$0x3FB9];
	_ =	sdelay $0x3  }
0x34: {  	[smem:$0x3FB9] =	sst s10  }
0x35: {  	s10 =	sld [smem:$0x3FB8];
	_ =	sdelay $0x3  }
0x36: {  	p1 =	seq.s32 s10, $0x1;
	s10 =	sld [smem:$0x3FB9];
	_ =	sdelay $0x3  }
0x37: {  	[smem:$0x3FB9] =	sst s10  }
0x38: {  	s10 =	sld [smem:$0x3FBA]  }
0x39: {  	_ = 	snop;
	(pc) =	sbr.ind lr, $3  }
0x3a: {  	_ = 	snop  }
0x3b: {  	_ = 	snop  }
0x3c: {  	p2 =	seq.s32 s10, $0x1;
	s10 =	sld [smem:$0x3FB9]  }
0x3d: {  	_ =	shalt  }
0x3e: {  	_ =	shalt  }
0x3f: {  	_ =	shalt  }
0x40: {  	_ =	shalt  }
0x41: {  	_ =	shalt  }
0x42: {  	_ =	shalt  }
0x43: {  	_ =	shalt  }
0x44: {  	_ =	shalt  }
0x45: {  	_ =	shalt  }
0x46: {  	_ =	shalt  }
0x47: {  	_ =	shalt  }
0x48: {  	_ =	shalt  }
0x49: {  	_ =	shalt  }
0x4a: {  	_ =	shalt  }
0x4b: {  	_ =	shalt  }
0x4c: {  	_ =	shalt  }
0x4d: {  	_ =	shalt  }
0x4e: {  	_ =	shalt  }
0x4f: {  	_ =	shalt  }
0x50: {  	_ =	shalt  }
0x51: {  	_ =	shalt  }
0x52: {  	_ =	shalt  }
0x53: {  	_ =	shalt  }
0x54: {  	_ =	shalt  }
0x55: {  	_ =	shalt  }
0x56: {  	_ =	shalt  }
0x57: {  	_ =	shalt  }
0x58: {  	_ =	shalt  }
0x59: {  	_ =	shalt  }
0x5a: {  	_ =	shalt  }
0x5b: {  	_ =	shalt  }
0x5c: {  	_ =	shalt  }
0x5d: {  	_ =	shalt  }
0x5e: {  	_ =	shalt  }
0x5f: {  	_ =	shalt  }
0x60: {  	_ =	shalt  }
0x61: {  	_ =	shalt  }
0x62: {  	_ =	shalt  }
0x63: {  	_ =	shalt  }
0x64: {  	_ =	shalt  }
0x65: {  	_ =	shalt  }
0x66: {  	_ =	shalt  }
0x67: {  	_ =	shalt  }
0x68: {  	_ =	shalt  }
0x69: {  	_ =	shalt  }
0x6a: {  	_ =	shalt  }
0x6b: {  	_ =	shalt  }
0x6c: {  	_ =	shalt  }
0x6d: {  	_ =	shalt  }
0x6e: {  	_ =	shalt  }
0x6f: {  	_ =	shalt  }
0x70: {  	_ =	shalt  }
0x71: {  	_ =	shalt  }
0x72: {  	_ =	shalt  }
0x73: {  	_ =	shalt  }
0x74: {  	_ =	shalt  }
0x75: {  	_ =	shalt  }
0x76: {  	_ =	shalt  }
0x77: {  	_ =	shalt  }
0x78: {  	_ =	shalt  }
0x79: {  	_ =	shalt  }
0x7a: {  	_ =	shalt  }
0x7b: {  	_ =	shalt  }
0x7c: {  	_ =	shalt  }
0x7d: {  	_ =	shalt  }
0x7e: {  	_ =	shalt  }
0x7f: {  	_ =	shalt  }
0x80: {  	_ =	shalt  }
0x81: {  	_ =	shalt  }
0x82: {  	_ =	shalt  }
0x83: {  	_ =	shalt  }
0x84: {  	_ =	shalt  }
0x85: {  	_ =	shalt  }
0x86: {  	_ =	shalt  }
0x87: {  	_ =	shalt  }
.Lfunc_end0:
.L_simem_size_0:
called_computation.1_lowered:
.L_overlay_start_0:
0x88: {  	s2 =	sld [smem:$0x3FD9]  }
0x89: {  	s3 =	sld [smem:$0x3FFE];
	_ =	sdelay $0x1  }
0x8a: {  	s1 =	srdreg.scid  }
0x8b: {  	s0 =	sand.u32 $0x1, s1  }
0x8c: {  	s17 =	sshll.u32 s0, $0xA;
	s2 =	sadd.s32 s3, s2  }
0x8d: {  	s2 =	sadd.s32 s2, s17  }
0x8e: {  	[smem:$0x3FC5] =	sst s2  }
0x8f: {  	_ = 	snop  }
0x90: {  	s2 =	sld [smem:$0x3FC9]  }
0x91: {  	s18 =	sld [smem:$0x3FD0];
	(tm) =	ssettm $0x1  }
0x92: {  	s4 =	sld [smem:$0x3FFB];
	_ =	sdelay $0x3  }
0x93: {  	_ =	strace s4  }
0x94: {  	s4 =	sld [smem:$0x3FFC];
	_ =	sdelay $0x3  }
0x95: {  	_ =	strace s4  }
0x96: {  	s4 =	sld [smem:$0x3FFD];
	_ =	sdelay $0x3  }
0x97: {  	_ =	strace s4  }
0x98: {  	_ =	strace $0x8FFFFFFF  }
0x99: {  	s19 =	sld [smem:$0x3FDB];
	_ =	sdelay $0x1  }
0x9a: {  	s5 =	simm.s32 $_scs_section_size  }
0x9b: {  	s6 =	simm.s32 $_size__tile_overlayer_lowered;
	s7 =	simm.s32 $_tile_overlayer_lowered  }
0x9c: {  	s22 =	simm.s32 $0x1BFF;
	s21 =	sshll.u32 s7, $0x1;
	s4 =	sadd.s32 s5, s19  }
0x9d: {  	s8 =	simm.s32 $0x0;
	s20 =	sshll.u32 s6, $0x1;
	s6 =	sadd.s32 s21, s4  }
0x9e: {  	[timem:s8], [sflag:s22] =	dma.local [hbm:s6], s20  }
0x9f: {  	_ =	swait.ge [sflag:s22], s20  }
0xa0: {  	s5 =	ssub.s32 $0x0, s20;
	[sflag:s22] =	ssyncset.done $0x0  }
0xa1: {  	[sflag:s22] =	ssyncadd.s32 s5;
	_ =	sdelay $0x1  }
0xa2: {  	s23 =	simm.s32 $0x1B8B  }
0xa3: {  	_ =	swait.ge [sflag:s23], $0x1  }
0xa4: {  	[sflag:s23] =	ssyncset.done $0x0  }
0xa5: {  	s25 =	simm.s32 $0x1B8E;
	s24 =	sld [smem:$0x3FFE];
	[sflag:s23] =	ssyncadd.s32 $0xFFFFFFFF  }
0xa6: {  	s26 =	simm.s32 $execute0_lowered;
	[smem:$0x3FD2] =	sst s25  }
0xa7: {  	s6 =	sshll.u32 s26, $0x1;
	_ =	strace $0x80000046;
	[dreg:$0x1] =	wrdreg $0xFFFFFFFF  }
0xa8: {  	s28 =	simm.s32 $_size_execute0_lowered;
	s4 =	sadd.s32 s4, s6;
	[dreg:$0x0] =	wrdreg $0x0  }
0xa9: {  	s6 =	sshll.u32 s28, $0x1;
	[dreg:$0x2] =	wrdreg s4  }
0xaa: {  	[dreg:$0x3] =	wrdreg s6  }
0xab: {  	[dreg:$0x4] =	wrdreg $0xC0  }
0xac: {  	_ =	task [dreg:s8], $0x5FFFF  }
0xad: {  	[dreg:$0x1] =	wrdreg $0xFFFFFFFF  }
0xae: {  	[dreg:$0x0] =	wrdreg $0x60  }
0xaf: {  	[dreg:$0x2] =	wrdreg s2  }
0xb0: {  	[dreg:$0x3] =	wrdreg s18  }
0xb1: {  	[dreg:$0x4] =	wrdreg s24  }
0xb2: {  	[dreg:$0x5] =	wrdreg $0x9  }
0xb3: {  	_ =	task.clear_ibuf [dreg:s8], $0x6FFFF;
	_ =	strace $0x90000046  }
0xb4: {  	s29 =	simm.s32 $0x9;
	_ =	strace $0x80000048  }
0xb5: {  	_ =	swait.ge [sflag:s29], $0x1  }
0xb6: {  	[sflag:s29] =	ssyncadd.s32 $0xFFFFFFFF  }
0xb7: {  	_ =	strace $0x90000048  }
0xb8: {  	_ =	sfence  }
0xb9: {  	s30 =	sld [smem:$0x0];
	_ =	sdelay $0x2  }
0xba: {  	s31 =	sshll.u32 s1, $0xD;
	s1 =	sshrl.u32 s1, $0x2  }
0xbb: {  	s3 =	sand.u32 $0x4000, s31;
	s1 =	sadd.s32 s1, s30  }
0xbc: {  	s0 =	sor.u32 s3, s0;
	s1 =	sshll.u32 s1, $0x11  }
0xbd: {  	s0 =	sor.u32 s1, s0  }
0xbe: {  	s0 =	sadd.s32 $0x8F2B, s0  }
0xbf: {  	[sflag:s0] =	ssyncadd.remote.s32 $0x1  }
0xc0: {  	_ =	sfence.sel $0xFFFF  }
0xc1: {  	[dreg:$0x0] =	wrdreg $0xFFFFFFFF;
	(pc) =	sbr.abs _section_cstart, $3  }
0xc2: {  	[dreg:$0x1] =	wrdreg $0xFFFFFFFF  }
0xc3: {  	_ =	task.clear_ibuf [dreg:s8], $0x2FFFF;
	_ =	strace $0x9FFFFFFF  }
0xc4: {  	(tm) =	ssettm $0x7FFFFFFF  }
0xc5: {  	_ =	shalt  }
tec
execute0_lowered:
.L_overlay_start_1:
0x0: {  	(tag) =	ssettag $0x1  }
0x1: {  	s1 =	rddreg [dreg:$0x0];
	s2 =	srdreg.scid  }
0x2: {  	s0 =	stileid.u32;
	s4 =	rddreg [dreg:$0x1]  }
0x3: {  	s6 =	rddreg [dreg:$0x2];
	s3 =	simm.s32 $0x0;
	s9 =	simm.s32 $0x1  }
0x4: {  	s10 =	simm.s32 $0xC400;
	s5 =	sand.u32 $0x1, s2;
	s31 =	sshll.u32 s0, $0x1  }
0x5: {  	s11 =	simm.s32 $0x0;
	s7 =	sor.u32 s5, s31;
	s5 =	ssub.s32 $0x2, s5  }
0x6: {  	[smem:$0x7FF] =	sst s3;
	s7 =	smul.u32 $0x1880, s7;
	s8 =	sshrl.u32 s5, $0x1  }
0x7: {  	s2 =	rddreg [dreg:$0x3];
	_ =	strace $0x80000047;
	s8 =	ssub.s32 s5, s8  }
0x8: {  	s6 =	sadd.s32 s7, s6;
	s4 =	sadd.s32 s4, s7;
	s7 =	simm.s32 $0x2  }
0x9: {  	s5 =	sadd.s32 $0x1000, s6;
	s6 =	smax.u32 s8, $0x1;
	s8 =	simm.s32 $0x80  }
.LBB2_1:
0xa: {  	[tilespmem:s3], [sflag:$0x2] =	stream.linear.gather [hbm4b:s4+s3], $0xC400, $0x38;
	[tilespmem:$0x18800] =	vst v63  }
0xb: {  	_ =	swait.ge [sflag:s7], $0xC400  }
0xc: {  	[sflag:s7] =	ssyncset.done $0x0  }
0xd: {  	s12 =	simm.s32 $0x0;
	s13 =	simm.s32 $0xC400;
	[sflag:s7] =	ssyncadd.s32 $0xFFFF3C00  }
0xe: {  	[tilespmem:s13], [sflag:$0x1] =	stream.indirect.gather [hbm4b:s1+s8], $0x1, s12, s8, $0xb8;
	[tilespmem:$0x18800] =	vst v63  }
0xf: {  	s17 =	simm.s32 $0xC480;
	s18 =	simm.s32 $0x80  }
0x10: {  	[tilespmem:s17], [sflag:$0x1] =	stream.indirect.gather [hbm4b:s1+s8], $0x1, s18, s8, $0xb8;
	[tilespmem:$0x18800] =	vst v63  }
0x11: {  	s19 =	simm.s32 $0xC500;
	s20 =	simm.s32 $0x100  }
0x12: {  	[tilespmem:s19], [sflag:$0x1] =	stream.indirect.gather [hbm4b:s1+s8], $0x1, s20, s8, $0xb8;
	[tilespmem:$0x18800] =	vst v63  }
0x13: {  	s21 =	simm.s32 $0xC580;
	s22 =	simm.s32 $0x180  }
0x14: {  	[tilespmem:s21], [sflag:$0x1] =	stream.indirect.gather [hbm4b:s1+s8], $0x1, s22, s8, $0xb8;
	[tilespmem:$0x18800] =	vst v63  }
0x15: {  	s23 =	simm.s32 $0xC600;
	s24 =	simm.s32 $0x200  }
0x16: {  	[tilespmem:s23], [sflag:$0x1] =	stream.indirect.gather [hbm4b:s1+s8], $0x1, s24, s8, $0xb8;
	[tilespmem:$0x18800] =	vst v63  }
0x17: {  	s25 =	simm.s32 $0xC680;
	s26 =	simm.s32 $0x280  }
0x18: {  	[tilespmem:s25], [sflag:$0x1] =	stream.indirect.gather [hbm4b:s1+s8], $0x1, s26, s8, $0xb8;
	[tilespmem:$0x18800] =	vst v63  }
0x19: {  	s28 =	simm.s32 $0xC700;
	s29 =	simm.s32 $0x300  }
0x1a: {  	[tilespmem:s28], [sflag:$0x1] =	stream.indirect.gather [hbm4b:s1+s8], $0x1, s29, s8, $0xb8;
	[tilespmem:$0x18800] =	vst v63  }
0x1b: {  	s30 =	simm.s32 $0xC780;
	s31 =	simm.s32 $0x380  }
0x1c: {  	[tilespmem:s30], [sflag:$0x1] =	stream.indirect.gather [hbm4b:s1+s8], $0x1, s31, s8, $0xb8;
	[tilespmem:$0x18800] =	vst v63  }
0x1d: {  	_ =	swait.ge [sflag:s9], $0x80  }
0x1e: {  	[sflag:s9] =	ssyncset.done $0x0  }
0x1f: {  	[sflag:s9] =	ssyncadd.s32 $0xFFFFFF80  }
0x20: {  	_ =	swait.ge [sflag:s9], $0x80  }
0x21: {  	[sflag:s9] =	ssyncset.done $0x0  }
0x22: {  	[sflag:s9] =	ssyncadd.s32 $0xFFFFFF80  }
0x23: {  	_ =	swait.ge [sflag:s9], $0x80  }
0x24: {  	[sflag:s9] =	ssyncset.done $0x0  }
0x25: {  	[sflag:s9] =	ssyncadd.s32 $0xFFFFFF80  }
0x26: {  	_ =	swait.ge [sflag:s9], $0x80  }
0x27: {  	[sflag:s9] =	ssyncset.done $0x0  }
0x28: {  	[sflag:s9] =	ssyncadd.s32 $0xFFFFFF80  }
0x29: {  	_ =	swait.ge [sflag:s9], $0x80  }
0x2a: {  	[sflag:s9] =	ssyncset.done $0x0  }
0x2b: {  	[sflag:s9] =	ssyncadd.s32 $0xFFFFFF80  }
0x2c: {  	_ =	swait.ge [sflag:s9], $0x80  }
0x2d: {  	[sflag:s9] =	ssyncset.done $0x0  }
0x2e: {  	[sflag:s9] =	ssyncadd.s32 $0xFFFFFF80  }
0x2f: {  	_ =	swait.ge [sflag:s9], $0x80  }
0x30: {  	[sflag:s9] =	ssyncset.done $0x0  }
0x31: {  	[sflag:s9] =	ssyncadd.s32 $0xFFFFFF80  }
0x32: {  	_ =	swait.ge [sflag:s9], $0x80  }
0x33: {  	s15 =	simm.s32 $0x2000;
	s14 =	simm.s32 $0x400;
	[sflag:s9] =	ssyncset.done $0x0  }
.LBB2_2:
0x34: {  	s16 =	sadd.s32 $0xC400, s14  }
0x35: {  	[sflag:s9] =	ssyncadd.s32 $0xFFFFFF80;
	s13 =	smov.u32 s15;
	s12 =	sadd.s32 $0x1000, s15  }
0x36: {  	[tilespmem:s16], [sflag:$0x1] =	stream.indirect.gather [hbm4b:s1+s8], $0x1, s14, s8, $0xb8;
	[tilespmem:$0x18800] =	vst v63  }
0x37: {  	p0 =	sne.s32 s15, $0x30000;
	s15 =	sadd.s32 $0xC480, s14;
	s16 =	sadd.s32 $0x80, s14  }
0x38: {  	[tilespmem:s15], [sflag:$0x1] =	stream.indirect.gather [hbm4b:s1+s8], $0x1, s16, s8, $0xb8;
	[tilespmem:$0x18800] =	vst v63  }
0x39: {  	s15 =	sadd.s32 $0xC500, s14;
	s16 =	sadd.s32 $0x100, s14  }
0x3a: {  	[tilespmem:s15], [sflag:$0x1] =	stream.indirect.gather [hbm4b:s1+s8], $0x1, s16, s8, $0xb8;
	[tilespmem:$0x18800] =	vst v63  }
0x3b: {  	s15 =	sadd.s32 $0xC580, s14;
	s16 =	sadd.s32 $0x180, s14  }
0x3c: {  	[tilespmem:s15], [sflag:$0x1] =	stream.indirect.gather [hbm4b:s1+s8], $0x1, s16, s8, $0xb8;
	[tilespmem:$0x18800] =	vst v63  }
0x3d: {  	s15 =	sadd.s32 $0xC600, s14;
	s16 =	sadd.s32 $0x200, s14  }
0x3e: {  	[tilespmem:s15], [sflag:$0x1] =	stream.indirect.gather [hbm4b:s1+s8], $0x1, s16, s8, $0xb8;
	[tilespmem:$0x18800] =	vst v63  }
0x3f: {  	s15 =	sadd.s32 $0xC680, s14;
	s16 =	sadd.s32 $0x280, s14  }
0x40: {  	[tilespmem:s15], [sflag:$0x1] =	stream.indirect.gather [hbm4b:s1+s8], $0x1, s16, s8, $0xb8;
	[tilespmem:$0x18800] =	vst v63  }
0x41: {  	s15 =	sadd.s32 $0xC700, s14;
	s16 =	sadd.s32 $0x300, s14  }
0x42: {  	[tilespmem:s15], [sflag:$0x1] =	stream.indirect.gather [hbm4b:s1+s8], $0x1, s16, s8, $0xb8;
	[tilespmem:$0x18800] =	vst v63  }
0x43: {  	s15 =	sadd.s32 $0xC780, s14;
	s14 =	sadd.s32 $0x380, s14  }
0x44: {  	[tilespmem:s15], [sflag:$0x1] =	stream.indirect.gather [hbm4b:s1+s8], $0x1, s14, s8, $0xb8;
	[tilespmem:$0x18800] =	vst v63  }
0x45: {  	_ =	swait.ge [sflag:s9], $0x80  }
0x46: {  	[sflag:s9] =	ssyncset.done $0x0  }
0x47: {  	[sflag:s9] =	ssyncadd.s32 $0xFFFFFF80  }
0x48: {  	_ =	swait.ge [sflag:s9], $0x80  }
0x49: {  	[sflag:s9] =	ssyncset.done $0x0  }
0x4a: {  	[sflag:s9] =	ssyncadd.s32 $0xFFFFFF80  }
0x4b: {  	_ =	swait.ge [sflag:s9], $0x80  }
0x4c: {  	[sflag:s9] =	ssyncset.done $0x0  }
0x4d: {  	[sflag:s9] =	ssyncadd.s32 $0xFFFFFF80  }
0x4e: {  	_ =	swait.ge [sflag:s9], $0x80  }
0x4f: {  	[sflag:s9] =	ssyncset.done $0x0  }
0x50: {  	[sflag:s9] =	ssyncadd.s32 $0xFFFFFF80  }
0x51: {  	_ =	swait.ge [sflag:s9], $0x80  }
0x52: {  	[sflag:s9] =	ssyncset.done $0x0  }
0x53: {  	[sflag:s9] =	ssyncadd.s32 $0xFFFFFF80  }
0x54: {  	_ =	swait.ge [sflag:s9], $0x80  }
0x55: {  	[sflag:s9] =	ssyncset.done $0x0  }
0x56: {  	[sflag:s9] =	ssyncadd.s32 $0xFFFFFF80  }
.Ltmp0:
0x57: {  	_ =	swait.ge [sflag:s9], $0x80;
	(pc) =	sbr.rel @p0 .LBB2_2-.Ltmp0, $4  }
0x58: {  	[sflag:s9] =	ssyncset.done $0x0  }
0x59: {  	[sflag:s9] =	ssyncadd.s32 $0xFFFFFF80  }
0x5a: {  	_ =	swait.ge [sflag:s9], $0x80  }
0x5b: {  	s14 =	sshra.s32 s13, $0x2;
	s15 =	smov.u32 s12;
	[sflag:s9] =	ssyncset.done $0x0  }
0x5c: {  	s12 =	sadd.s32 $0xC400, s14;
	[sflag:s9] =	ssyncadd.s32 $0xFFFFFF80  }
0x5d: {  	[tilespmem:s12], [sflag:$0x1] =	stream.indirect.gather [hbm4b:s1+s8], $0x1, s14, s8, $0xb8;
	[tilespmem:$0x18800] =	vst v63  }
0x5e: {  	s18 =	sadd.s32 $0xC480, s14;
	s13 =	sadd.s32 $0x80, s14  }
0x5f: {  	[tilespmem:s18], [sflag:$0x1] =	stream.indirect.gather [hbm4b:s1+s8], $0x1, s13, s8, $0xb8;
	[tilespmem:$0x18800] =	vst v63  }
0x60: {  	s19 =	sadd.s32 $0xC500, s14;
	s20 =	sadd.s32 $0x100, s14  }
0x61: {  	[tilespmem:s19], [sflag:$0x1] =	stream.indirect.gather [hbm4b:s1+s8], $0x1, s20, s8, $0xb8;
	[tilespmem:$0x18800] =	vst v63  }
0x62: {  	s21 =	sadd.s32 $0xC580, s14;
	s22 =	sadd.s32 $0x180, s14  }
0x63: {  	[tilespmem:s21], [sflag:$0x1] =	stream.indirect.gather [hbm4b:s1+s8], $0x1, s22, s8, $0xb8;
	[tilespmem:$0x18800] =	vst v63  }
0x64: {  	s23 =	sadd.s32 $0xC600, s14;
	s24 =	sadd.s32 $0x200, s14  }
0x65: {  	[tilespmem:s23], [sflag:$0x1] =	stream.indirect.gather [hbm4b:s1+s8], $0x1, s24, s8, $0xb8;
	[tilespmem:$0x18800] =	vst v63  }
0x66: {  	s25 =	sadd.s32 $0xC680, s14;
	s26 =	sadd.s32 $0x280, s14  }
0x67: {  	[tilespmem:s25], [sflag:$0x1] =	stream.indirect.gather [hbm4b:s1+s8], $0x1, s26, s8, $0xb8;
	[tilespmem:$0x18800] =	vst v63  }
0x68: {  	s28 =	sadd.s32 $0xC700, s14;
	s29 =	sadd.s32 $0x300, s14  }
0x69: {  	[tilespmem:s28], [sflag:$0x1] =	stream.indirect.gather [hbm4b:s1+s8], $0x1, s29, s8, $0xb8;
	[tilespmem:$0x18800] =	vst v63  }
0x6a: {  	s30 =	sadd.s32 $0xC780, s14;
	s31 =	sadd.s32 $0x380, s14  }
0x6b: {  	[tilespmem:s30], [sflag:$0x1] =	stream.indirect.gather [hbm4b:s1+s8], $0x1, s31, s8, $0xb8;
	[tilespmem:$0x18800] =	vst v63  }
0x6c: {  	_ =	swait.ge [sflag:s9], $0x80  }
0x6d: {  	[sflag:s9] =	ssyncset.done $0x0  }
0x6e: {  	[sflag:s9] =	ssyncadd.s32 $0xFFFFFF80  }
0x6f: {  	_ =	swait.ge [sflag:s9], $0x80  }
0x70: {  	[sflag:s9] =	ssyncset.done $0x0  }
0x71: {  	[sflag:s9] =	ssyncadd.s32 $0xFFFFFF80  }
0x72: {  	_ =	swait.ge [sflag:s9], $0x80  }
0x73: {  	[sflag:s9] =	ssyncset.done $0x0  }
0x74: {  	[sflag:s9] =	ssyncadd.s32 $0xFFFFFF80  }
0x75: {  	_ =	swait.ge [sflag:s9], $0x80  }
0x76: {  	[sflag:s9] =	ssyncset.done $0x0  }
0x77: {  	[sflag:s9] =	ssyncadd.s32 $0xFFFFFF80  }
0x78: {  	_ =	swait.ge [sflag:s9], $0x80  }
0x79: {  	[sflag:s9] =	ssyncset.done $0x0  }
0x7a: {  	[sflag:s9] =	ssyncadd.s32 $0xFFFFFF80  }
0x7b: {  	_ =	swait.ge [sflag:s9], $0x80  }
0x7c: {  	[sflag:s9] =	ssyncset.done $0x0  }
0x7d: {  	[sflag:s9] =	ssyncadd.s32 $0xFFFFFF80  }
0x7e: {  	_ =	swait.ge [sflag:s9], $0x80  }
0x7f: {  	[sflag:s9] =	ssyncset.done $0x0  }
0x80: {  	[sflag:s9] =	ssyncadd.s32 $0xFFFFFF80  }
0x81: {  	s11 =	sadd.s32 $0x1, s11;
	_ =	swait.ge [sflag:s9], $0x80  }
0x82: {  	p0 =	sne.s32 s11, s6;
	[sflag:s9] =	ssyncset.done $0x0  }
.Ltmp1:
0x83: {  	[sflag:s9] =	ssyncadd.s32 $0xFFFFFF80;
	(pc) =	sbr.rel @p0 .LBB2_1-.Ltmp1, $4  }
0x84: {  	[hbm4b:s5+s3] =	stream.linear.scatter [tilespmem:s10], [sflag:$0x2], $0xC400, $0x38;
	[tilespmem:$0x18800] =	vst v63  }
0x85: {  	_ =	swait.ge [sflag:s7], $0xC400  }
0x86: {  	[sflag:s7] =	ssyncset.done $0x0  }
0x87: {  	[sflag:s7] =	ssyncadd.s32 $0xFFFF3C00  }
0x88: {  	_ =	sfence.sel $0x180000  }
0x89: {  	[bflag:$0x0] =	sbarrier.arrive $0xFFFF  }
0x8a: {  	p0 =	sne.s32 s0, $0x0;
	_ =	strace $0x90000047  }
0x8b: {  	s0 =	sadd.s32 @!p0 $0x100000, s2;
	[bflag:$0x2] =	sbarrier.arrive $0xFFFF  }
0x8c: {  	[sflag:s0] =	ssyncadd.tile.s32 @!p0 $0x1;
	_ =	shalt  }
.Lfunc_end2:
_tile_overlayer_lowered:
.L_overlay_start_2:
0x8d: {  	(tag) =	ssettag $0x2  }
0x8e: {  	s0 =	rddreg [dreg:$0x0];
	s2 =	stileid.u32  }
0x8f: {  	s1 =	rddreg [dreg:$0x1];
	p0 =	sne.s32 s2, $0x0  }
0x90: {  	s3 =	rddreg [dreg:$0x2];
	[bflag:$0x3] =	sbarrier.arrive $0xFFFF;
	s2 =	simm.s32 @!p0 $0x1C02  }
0x91: {  	[timem:s3], [sflag:s2] =	dma.local @!p0 [hbm:s0], s1  }
0x92: {  	s0 =	simm.s32 @!p0 $0x2  }
0x93: {  	_ =	swait.ge @!p0 [sflag:s0], s1  }
0x94: {  	s1 =	ssub.s32 @!p0 $0x0, s1;
	[sflag:s0] =	ssyncset.done @!p0 $0x0  }
0x95: {  	[sflag:s0] =	ssyncadd.s32 @!p0 s1  }
0x96: {  	[bflag:$0x3] =	sbarrier.arrive $0xFFFF  }
0x97: {  	_ =	shalt  }

// kernel: sparse-core-data-format-call.cloned.1.call-start
scs
called_computation_lowered:
.L_overlay_start_0:
0x0: {  	s2 =	sld [smem:$0x3FD9]  }
0x1: {  	s3 =	sld [smem:$0x3FFE];
	_ =	sdelay $0x1  }
0x2: {  	s1 =	srdreg.scid  }
0x3: {  	s0 =	sand.u32 $0x1, s1  }
0x4: {  	s18 =	sshll.u32 s0, $0xA;
	s2 =	sadd.s32 s3, s2  }
0x5: {  	s2 =	sadd.s32 s2, s18  }
0x6: {  	[smem:$0x3FC5] =	sst s2  }
0x7: {  	_ = 	snop  }
0x8: {  	s2 =	sld [smem:$0x3FD0];
	(tm) =	ssettm $0x1  }
0x9: {  	s19 =	sld [smem:$0x3FFB];
	_ =	sdelay $0x3  }
0xa: {  	_ =	strace s19  }
0xb: {  	s3 =	sld [smem:$0x3FFC];
	_ =	sdelay $0x3  }
0xc: {  	_ =	strace s3  }
0xd: {  	s3 =	sld [smem:$0x3FFD];
	_ =	sdelay $0x3  }
0xe: {  	_ =	strace s3  }
0xf: {  	_ =	strace $0x8FFFFFFF  }
0x10: {  	s20 =	sld [smem:$0x3FDB];
	_ =	sdelay $0x1  }
0x11: {  	s4 =	simm.s32 $_scs_section_size  }
0x12: {  	s5 =	simm.s32 $_size__tile_overlayer_lowered;
	s6 =	simm.s32 $_tile_overlayer_lowered  }
0x13: {  	s23 =	simm.s32 $0x1BFF;
	s22 =	sshll.u32 s6, $0x1;
	s3 =	sadd.s32 s4, s20  }
0x14: {  	s7 =	simm.s32 $0x0;
	s21 =	sshll.u32 s5, $0x1;
	s5 =	sadd.s32 s22, s3  }
0x15: {  	[timem:s7], [sflag:s23] =	dma.local [hbm:s5], s21  }
0x16: {  	_ =	swait.ge [sflag:s23], s21  }
0x17: {  	s4 =	ssub.s32 $0x0, s21;
	[sflag:s23] =	ssyncset.done $0x0  }
0x18: {  	[sflag:s23] =	ssyncadd.s32 s4;
	_ =	sdelay $0x1  }
0x19: {  	s24 =	simm.s32 $0x1B8B  }
0x1a: {  	_ =	swait.ge [sflag:s24], $0x1  }
0x1b: {  	[sflag:s24] =	ssyncset.done $0x0  }
0x1c: {  	s26 =	simm.s32 $0x1B8E;
	s25 =	sld [smem:$0x3FFE];
	[sflag:s24] =	ssyncadd.s32 $0xFFFFFFFF  }
0x1d: {  	s27 =	simm.s32 $execute0_lowered;
	[smem:$0x3FD2] =	sst s26  }
0x1e: {  	s5 =	sshll.u32 s27, $0x1;
	_ =	strace $0x80000049;
	[dreg:$0x1] =	wrdreg $0xFFFFFFFF  }
0x1f: {  	s28 =	simm.s32 $_size_execute0_lowered;
	s3 =	sadd.s32 s3, s5;
	[dreg:$0x0] =	wrdreg $0x0  }
0x20: {  	s5 =	sshll.u32 s28, $0x1;
	[dreg:$0x2] =	wrdreg s3  }
0x21: {  	[dreg:$0x3] =	wrdreg s5  }
0x22: {  	[dreg:$0x4] =	wrdreg $0xC0  }
0x23: {  	_ =	task [dreg:s7], $0x5FFFF  }
0x24: {  	[dreg:$0x1] =	wrdreg $0xFFFFFFFF  }
0x25: {  	[dreg:$0x0] =	wrdreg $0x60  }
0x26: {  	[dreg:$0x2] =	wrdreg s25  }
0x27: {  	[dreg:$0x3] =	wrdreg s2  }
0x28: {  	[dreg:$0x4] =	wrdreg $0x9  }
0x29: {  	_ =	task.clear_ibuf [dreg:s7], $0x5FFFF;
	_ =	strace $0x90000049  }
0x2a: {  	s29 =	simm.s32 $0x9;
	_ =	strace $0x8000004B  }
0x2b: {  	_ =	swait.ge [sflag:s29], $0x1  }
0x2c: {  	[sflag:s29] =	ssyncadd.s32 $0xFFFFFFFF  }
0x2d: {  	_ =	strace $0x9000004B  }
0x2e: {  	_ =	sfence  }
0x2f: {  	s30 =	sld [smem:$0x0];
	_ =	sdelay $0x2  }
0x30: {  	s31 =	sshll.u32 s1, $0xD;
	s1 =	sshrl.u32 s1, $0x2  }
0x31: {  	s3 =	sand.u32 $0x4000, s31;
	s1 =	sadd.s32 s1, s30  }
0x32: {  	s0 =	sor.u32 s3, s0;
	s1 =	sshll.u32 s1, $0x11  }
0x33: {  	s0 =	sor.u32 s1, s0  }
0x34: {  	s0 =	sadd.s32 $0x8F2B, s0  }
0x35: {  	[sflag:s0] =	ssyncadd.remote.s32 $0x1  }
0x36: {  	_ =	sfence.sel $0xFFFF  }
0x37: {  	[dreg:$0x0] =	wrdreg $0xFFFFFFFF;
	(pc) =	sbr.abs _section_cstart, $3  }
0x38: {  	[dreg:$0x1] =	wrdreg $0xFFFFFFFF  }
0x39: {  	_ =	task.clear_ibuf [dreg:s7], $0x2FFFF;
	_ =	strace $0x9FFFFFFF  }
0x3a: {  	(tm) =	ssettm $0x7FFFFFFF  }
0x3b: {  	_ =	shalt  }
tec
execute0_lowered:
.L_overlay_start_1:
0x0: {  	(tag) =	ssettag $0x1  }
0x1: {  	s0 =	srdreg.scid  }
0x2: {  	s5 =	rddreg [dreg:$0x0];
	s1 =	sshll.u32 s0, $0x4  }
0x3: {  	s2 =	rddreg [dreg:$0x1];
	s0 =	stileid.u32;
	s1 =	sand.u32 $0x10, s1  }
0x4: {  	s4 =	simm.s32 $0x1;
	s8 =	simm.s32 $0x2;
	s1 =	sor.u32 s0, s1  }
0x5: {  	s12 =	simm.s32 $0x0;
	s9 =	simm.s32 $0x0;
	s3 =	sshll.u32 s1, $0x7  }
0x6: {  	s11 =	simm.s32 $0x0;
	s5 =	sadd.s32 $0x1000, s5;
	s6 =	ssub.s32 $0x186A00, s3  }
.Ltmp0:
0x7: {  	s1 =	rddreg [dreg:$0x2];
	s7 =	sand.u32 $0xF80, s6;
	(pc) =	sbr.rel .LBB1_1-.Ltmp0, $4  }
0x8: {  	_ =	strace $0x8000004A;
	p0 =	sne.s32 s7, $0x0;
	s7 =	simm.s32 $0x1  }
0x9: {  	[sflag:s4] =	ssyncpa.u1 $0x0;
	s6 =	sshrl.u32 s6, $0xC;
	s7 =	simm.s32 @!p0 $0x0  }
0xa: {  	s10 =	smov.u32 s3;
	[sflag:s8] =	ssyncpa.u1 $0x0;
	s6 =	sadd.s32 s7, s6  }
0xb: {  	s8 =	simm.s32 $0xC35000;
	p0 =	por $0x0, $0x0;
	s7 =	sadd.s32 $0x1, s6  }
.LBB1_4:
0xc: {  	s15 =	sshll.u32 s9, $0x3  }
0xd: {  	s15 =	sand.u32 $0xFFFFFC00, s15  }
0xe: {  	s16 =	sshrl.u32 s15, $0x9  }
0xf: {  	s16 =	smulhi.u32 $0xA7C5AD, s16;
	_ =	sdelay $0x1  }
0x10: {  	s16 =	sshrl.u32 s16, $0x3  }
0x11: {  	s18 =	smul.u32 $0xAAB, s16  }
0x12: {  	p1 =	sgt.s32 s9, $0x186980;
	s19 =	smov.u32 s9;
	s20 =	sshra.s32 s9, $0x1F  }
0x13: {  	s19 =	simm.s32 @!p1 $0x186980;
	s20 =	sand.u32 s20, s9;
	s18 =	sshrl.u32 s18, $0x11  }
0x14: {  	s17 =	sand.u32 $0x7F, s9;
	s28 =	ssub.s32 s19, s20;
	s18 =	smul.u32 $0x30, s18  }
0x15: {  	s15 =	sor.u32 s17, s15;
	s29 =	sadd.s32 $0xFFE79680, s28;
	s27 =	smul.u32 $0x186A00, s16  }
0x16: {  	s17 =	ssub.s32 $0x186A00, s28;
	p1 =	sgt.s32 s29, $0x7F;
	s16 =	ssub.s32 s16, s18  }
0x17: {  	s17 =	smul.u32 $0xC0, s17;
	s15 =	ssub.s32 s15, s27;
	s16 =	sand.u32 $0xFFFF, s16  }
0x18: {  	[tilespmem:s14+$0x810 ss:$0x81] =	vst.msk $0xffff, v2;
	s30 =	sshrl.u32 s15, $0x3;
	s15 =	sand.u32 $0x7, s15;
	s16 =	smul.u32 $0x30D40, s16  }
0x19: {  	[tilespmem:s14+$0x1020 ss:$0x81] =	vst.msk $0xffff, v0;
	s17 =	sshrl.u32 s17, $0x2;
	s15 =	sshll.u32 s15, $0x12;
	s18 =	sadd.s32 s2, s30  }
0x1a: {  	[tilespmem:s14+$0x0 ss:$0x81] =	vst.msk $0xffff, v1;
	s17 =	simm.s32 @p1 $0x0;
	s15 =	sor.u32 $0x400, s15;
	s31 =	sadd.s32 s16, s18  }
0x1b: {  	[hbm4b:s31+s15] =	stream.strided.scatter [tilespmem:s13], [sflag:$0x2], s17, s8, s15, $0x20;
	[tilespmem:$0x8080] =	vst v63  }
.LBB1_5:
0x1c: {  	p1 =	slt.u32 s11, $0x2  }
0x1d: {  	p2 =	sgt.s32 @!p1 s12, $0x186980  }
0x1e: {  	s13 =	smov.u32 s12;
	s14 =	sshra.s32 @!p1 s12, $0x1F;
	p2 =	por !p2, p1  }
0x1f: {  	s12 =	sand.u32 @!p1 s14, s12;
	s13 =	simm.s32 @p2 $0x186980  }
0x20: {  	s12 =	ssub.s32 @!p1 s13, s12  }
0x21: {  	s13 =	ssub.s32 @!p1 $0x186A00, s12  }
0x22: {  	s12 =	sadd.s32 @!p1 $0xFFE79680, s12;
	s13 =	smul.u32 @!p1 $0xC0, s13  }
0x23: {  	p2 =	sgt.s32 @!p1 s12, $0x7F  }
0x24: {  	s14 =	sadd.s32 $0x1000, s10;
	p2 =	por !p2, p1;
	s12 =	sshrl.u32 @!p1 s13, $0x2  }
0x25: {  	s12 =	simm.s32 @!p2 $0x0;
	p2 =	sgt.s32 s14, $0x1869FF  }
0x26: {  	s14 =	smov.u32 @p2 s3;
	p2 =	sne.s32 s11, s7  }
.Ltmp1:
0x27: {  	_ = 	snop;
	(pc) =	sbr.rel @!p2 .LBB1_6-.Ltmp1, $4  }
0x28: {  	s13 =	simm.s32 @!p1 $0x2  }
0x29: {  	p0 =	por !p0, !p0;
	_ =	swait.ge @!p1 [sflag:s13], s12;
	s15 =	ssub.s32 @!p1 $0x0, s12  }
0x2a: {  	s12 =	smov.u32 s9;
	s11 =	sadd.s32 $0x1, s11;
	[sflag:s13] =	ssyncset.done @!p1 $0x0  }
0x2b: {  	s9 =	smov.u32 s10;
	s10 =	smov.u32 s14;
	[sflag:s13] =	ssyncadd.s32 @!p1 s15  }
.LBB1_1:
0x2c: {  	p1 =	sge.u32 s11, s6  }
0x2d: {  	s13 =	sand.u32 @!p1 $0x1FFFFFF, s10  }
0x2e: {  	s14 =	smulhi.u32 @!p1 $0x14F8B59, s13;
	_ =	sdelay $0x1  }
0x2f: {  	s14 =	sshrl.u32 @!p1 s14, $0xD  }
0x30: {  	s14 =	smul.u32 @!p1 $0x186A00, s14;
	_ =	sdelay $0x1  }
0x31: {  	s31 =	sadd.s32 $0xFFFFFFFF, s11;
	s15 =	sxor.u32 @!p1 $0xFFFFFFFF, s11;
	s13 =	ssub.s32 @!p1 s13, s14  }
0x32: {  	s16 =	simm.s32 @!p1 $0x80;
	s15 =	sshll.u32 @!p1 s15, $0xD;
	s13 =	sshll.u32 @!p1 s13, $0x4  }
0x33: {  	s14 =	sand.u32 @!p1 $0x2000, s15;
	s15 =	simm.s32 @!p1 $0x40;
	s13 =	sadd.s32 @!p1 s5, s13  }
0x34: {  	[tilespmem:s14], [sflag:$0x1] =	stream.strided.gather @!p1 [hbm4b:s13+s15], $0x2000, s16, s15, $0x38;
	[tilespmem:$0x8080] =	vst v63  }
0x35: {  	p1 =	sge.u32 s31, s6  }
.Ltmp2:
0x36: {  	_ = 	snop;
	(pc) =	sbr.rel @p1 .LBB1_5-.Ltmp2, $1  }
0x37: {  	_ =	sdelay $0x3  }
0x38: {  	s13 =	simm.s32 $0x1  }
0x39: {  	_ =	swait.ge [sflag:s4], $0x2000;
	s13 =	simm.s32 @!p0 $0x0  }
0x3a: {  	[sflag:s4] =	ssyncset.done $0x0;
	s14 =	sshll.u32 s13, $0xD  }
0x3b: {  	[sflag:s4] =	ssyncadd.s32 $0xFFFFE000;
	s17 =	sor.u32 $0x20, s14  }
0x3c: {  	s13 =	smul.u32 $0x8100, s13;
	v3 =	vld [tilespmem:s17+$0x10]  }
0x3d: {  	s30 =	sand.u32 $0x1, s11;
	v2 =	vld [tilespmem:s17+$0xFFFFFFF0]  }
0x3e: {  	s14 =	smul.u32 $0x8100, s30;
	s13 =	sshrl.u32 s13, $0x2;
	v0 =	vld [tilespmem:s17+$0x0]  }
0x3f: {  	v1 =	vld [tilespmem:s17+$0xFFFFFFE0];
	s15 =	sor.u32 $0x4000, s13  }
0x40: {  	s31 =	sshrl.u32 s14, $0x2;
	s14 =	sadd.s32 $0x0, s15  }
0x41: {  	s16 =	simm.s32 $0x4;
	s17 =	sadd.s32 $0x40, s17;
	s13 =	sor.u32 $0x4000, s31;
	[tilespmem:s14+$0x1830 ss:$0x81] =	vst.msk $0xffff, v3  }
.LBB1_3:
0x42: {  	v3 =	vld [tilespmem:s17+$0x10];
	p1 =	sne.s32 s16, $0x1FC;
	[tilespmem:s14+$0x810 ss:$0x81] =	vst.msk $0xffff, v2;
	s18 =	smov.u32 s16;
	s16 =	sadd.s32 $0x4, s16  }
.Ltmp3:
0x43: {  	v2 =	vld [tilespmem:s17+$0xFFFFFFF0];
	[tilespmem:s14+$0x1020 ss:$0x81] =	vst.msk $0xffff, v0;
	(pc) =	sbr.rel @p1 .LBB1_3-.Ltmp3, $4  }
0x44: {  	v0 =	vld [tilespmem:s17+$0x0];
	[tilespmem:s14+$0x0 ss:$0x81] =	vst.msk $0xffff, v1  }
0x45: {  	s14 =	sshra.s32 s18, $0x2;
	v1 =	vld [tilespmem:s17+$0xFFFFFFE0]  }
0x46: {  	s14 =	sadd.s32 s14, s15  }
0x47: {  	s17 =	sadd.s32 $0x40, s17;
	[tilespmem:s14+$0x1830 ss:$0x81] =	vst.msk $0xffff, v3  }
.Ltmp4:
0x48: {  	_ = 	snop;
	(pc) =	sbr.rel .LBB1_4-.Ltmp4, $1  }
0x49: {  	_ =	sdelay $0x3  }
.LBB1_6:
0x4a: {  	_ =	sfence.sel $0x180000  }
0x4b: {  	s2 =	simm.s32 $0x1;
	[bflag:$0x0] =	sbarrier.arrive $0xFFFF  }
0x4c: {  	s31 =	simm.s32 $0x2;
	[sflag:s2] =	ssyncpa.u1 $0x1  }
0x4d: {  	[sflag:s31] =	ssyncpa.u1 $0x1  }
0x4e: {  	p0 =	sne.s32 s0, $0x0;
	_ =	strace $0x9000004A  }
0x4f: {  	s0 =	sadd.s32 @!p0 $0x100000, s1;
	[bflag:$0x2] =	sbarrier.arrive $0xFFFF  }
0x50: {  	[sflag:s0] =	ssyncadd.tile.s32 @!p0 $0x1;
	_ =	shalt  }
.Lfunc_end1:
_tile_overlayer_lowered:
.L_overlay_start_2:
0x51: {  	(tag) =	ssettag $0x2  }
0x52: {  	s0 =	rddreg [dreg:$0x0];
	s2 =	stileid.u32  }
0x53: {  	s1 =	rddreg [dreg:$0x1];
	p0 =	sne.s32 s2, $0x0  }
0x54: {  	s3 =	rddreg [dreg:$0x2];
	[bflag:$0x3] =	sbarrier.arrive $0xFFFF;
	s2 =	simm.s32 @!p0 $0x1C01  }
0x55: {  	[timem:s3], [sflag:s2] =	dma.local @!p0 [hbm:s0], s1  }
0x56: {  	s0 =	simm.s32 @!p0 $0x1  }
0x57: {  	_ =	swait.ge @!p0 [sflag:s0], s1  }
0x58: {  	s1 =	ssub.s32 @!p0 $0x0, s1;
	[sflag:s0] =	ssyncset.done @!p0 $0x0  }
0x59: {  	[sflag:s0] =	ssyncadd.s32 @!p0 s1  }
0x5a: {  	[bflag:$0x3] =	sbarrier.arrive $0xFFFF  }
0x5b: {  	_ =	shalt  }

</sc_bundles>
